<compile_context>
chip_gen: v7x
topology: tpu7x:2x2x1
jax: 0.10.2.dev20260603
libtpu: 0.0.44.dev20260713+nightly
codegen_flags: <defaults>
</compile_context>

<pallas_src>
import functools

import jax
import jax.numpy as jnp
from jax import lax
from jax.experimental import pallas as pl
from jax.experimental.pallas import tpu as pltpu
from jax.experimental.pallas import tpu_sc as plsc

N_NODES = 10000
N_EDGES = 320000
D = 128
D_EDGE = 16
NG = 16
NOUT_G = 4

NC = 2
NS = 16
NW = NC * NS
E_PER_W = N_EDGES // NW
K = 40
NBLK = E_PER_W // K
SUP = 50
KSUP = K * SUP
STRIPE = 624
REM = N_NODES - NS * STRIPE


def _ab_body(x_ref, ws_ref, wr_ref, a_ref, b_ref):
    x = x_ref[...]
    a_ref[...] = jnp.dot(x, ws_ref[...], preferred_element_type=jnp.float32)
    b_ref[...] = jnp.dot(x, wr_ref[...], preferred_element_type=jnp.float32)


def _make_ab(rows_blk):
    nb = N_NODES // rows_blk
    return pl.pallas_call(
        _ab_body,
        grid=(nb,),
        in_specs=[
            pl.BlockSpec((rows_blk, D), lambda i: (i, 0)),
            pl.BlockSpec((D, D), lambda i: (0, 0)),
            pl.BlockSpec((D, D), lambda i: (0, 0)),
        ],
        out_specs=[
            pl.BlockSpec((rows_blk, D), lambda i: (i, 0)),
            pl.BlockSpec((rows_blk, D), lambda i: (i, 0)),
        ],
        out_shape=[
            jax.ShapeDtypeStruct((N_NODES, D), jnp.float32),
            jax.ShapeDtypeStruct((N_NODES, D), jnp.float32),
        ],
    )


def _c_body(ef_ref, we_ref, be_ref, c_ref):
    c_ref[...] = (
        jnp.dot(ef_ref[...], we_ref[...], preferred_element_type=jnp.float32)
        + be_ref[...]
    )


def _make_c(edge_blk):
    nb = N_EDGES // edge_blk
    return pl.pallas_call(
        _c_body,
        grid=(nb,),
        in_specs=[
            pl.BlockSpec((edge_blk, D_EDGE), lambda i: (i, 0)),
            pl.BlockSpec((D_EDGE, D), lambda i: (0, 0)),
            pl.BlockSpec((1, D), lambda i: (0, 0)),
        ],
        out_specs=pl.BlockSpec((edge_blk, D), lambda i: (i, 0)),
        out_shape=jax.ShapeDtypeStruct((N_EDGES, D), jnp.float32),
    )


def _sc_body(recv_hbm, send_hbm, a_hbm, b_hbm, c_hbm, out_hbm,
             sr0, sr1, rsup, ssup,
             ar0, ar1, br0, br1, cr0, cr1, mg0, mg1,
             agg_sh, sga0, sga1, ssc0, ssc1):
    cid = lax.axis_index("c")
    sid = lax.axis_index("s")
    wid = sid * NC + cid
    srx = (sr0, sr1)
    ar = (ar0, ar1)
    br = (br0, br1)
    cr = (cr0, cr1)
    mg = (mg0, mg1)
    sga = (sga0, sga1)
    ssc = (ssc0, ssc1)

    def zrow(r, carry):
        for k8 in range(D // 16):
            mg0[r, pl.ds(k8 * 16, 16)] = jnp.zeros((16,), jnp.float32)
        return carry

    lax.fori_loop(0, K, zrow, 0)
    for j in range(STRIPE // K):
        pltpu.sync_copy(mg0, agg_sh.at[pl.ds(sid * STRIPE + j * K, K)])
    pltpu.sync_copy(
        mg0.at[pl.ds(0, STRIPE % K)],
        agg_sh.at[pl.ds(sid * STRIPE + (STRIPE // K) * K, STRIPE % K)],
    )

    @pl.when(sid == 0)
    def _():
        pltpu.sync_copy(mg0.at[pl.ds(0, REM)],
                        agg_sh.at[pl.ds(NS * STRIPE, REM)])

    plsc.subcore_barrier()

    ebase = wid * E_PER_W

    def issue_gathers(b, jnext):
        off = jnext % SUP
        pltpu.async_copy(
            a_hbm.at[ssup.at[pl.ds(off * K, K)]], ar[b], sga[b]
        )
        pltpu.async_copy(
            b_hbm.at[rsup.at[pl.ds(off * K, K)]], br[b], sga[b]
        )
        pltpu.async_copy(
            c_hbm.at[pl.ds(ebase + jnext * K, K)], cr[b], sga[b]
        )

    def sub_iter(jj, b):
        pltpu.make_async_copy(a_hbm.at[pl.ds(0, K)], ar[b], sga[b]).wait()
        pltpu.make_async_copy(b_hbm.at[pl.ds(0, K)], br[b], sga[b]).wait()
        pltpu.make_async_copy(c_hbm.at[pl.ds(0, K)], cr[b], sga[b]).wait()

        @pl.when(jj >= 2)
        def _():
            pltpu.make_async_copy(mg[b], agg_sh.at[pl.ds(0, K)],
                                  ssc[b]).wait()

        off = (jj % SUP) * K
        srx[b][pl.ds(0, 16)] = rsup[pl.ds(off, 16)]
        srx[b][pl.ds(16, 16)] = rsup[pl.ds(off + 16, 16)]
        srx[b][pl.ds(K - 16, 16)] = rsup[pl.ds(off + K - 16, 16)]

        @pl.when(jj + 1 < NBLK)
        def _():
            @pl.when((jj + 1) % SUP == 0)
            def _():
                nb = ebase + (jj + 1) * K
                pltpu.sync_copy(recv_hbm.at[pl.ds(nb, KSUP)], rsup)
                pltpu.sync_copy(send_hbm.at[pl.ds(nb, KSUP)], ssup)

            issue_gathers(1 - b, jj + 1)

        def row(r, c2):
            for k8 in range(D // 16):
                sl = pl.ds(k8 * 16, 16)
                mg[b][r, sl] = jnp.maximum(
                    ar[b][r, sl] + br[b][r, sl] + cr[b][r, sl], 0.0
                )
            return c2

        lax.fori_loop(0, K, row, 0)
        pltpu.async_copy(mg[b], agg_sh.at[srx[b]], ssc[b], add=True)

    pltpu.sync_copy(recv_hbm.at[pl.ds(ebase, KSUP)], rsup)
    pltpu.sync_copy(send_hbm.at[pl.ds(ebase, KSUP)], ssup)
    issue_gathers(0, 0)

    def pair(p, carry):
        sub_iter(2 * p, 0)
        sub_iter(2 * p + 1, 1)
        return carry

    lax.fori_loop(0, NBLK // 2, pair, 0)
    pltpu.make_async_copy(mg0, agg_sh.at[pl.ds(0, K)], ssc0).wait()
    pltpu.make_async_copy(mg1, agg_sh.at[pl.ds(0, K)], ssc1).wait()
    plsc.subcore_barrier()
    pltpu.sync_copy(
        agg_sh.at[pl.ds(sid * STRIPE, STRIPE)],
        out_hbm.at[cid].at[pl.ds(sid * STRIPE, STRIPE)],
    )

    @pl.when(sid == 0)
    def _():
        pltpu.sync_copy(
            agg_sh.at[pl.ds(NS * STRIPE, REM)],
            out_hbm.at[cid].at[pl.ds(NS * STRIPE, REM)],
        )


@functools.cache
def _get_sc_agg():
    return pl.kernel(
        _sc_body,
        out_type=jax.ShapeDtypeStruct((NC, N_NODES, D), jnp.float32),
        mesh=plsc.VectorSubcoreMesh(
            core_axis_name="c", subcore_axis_name="s",
            num_cores=NC, num_subcores=NS,
        ),
        scratch_types=[
            pltpu.VMEM((K,), jnp.int32),
            pltpu.VMEM((K,), jnp.int32),
            pltpu.VMEM((KSUP,), jnp.int32),
            pltpu.VMEM((KSUP,), jnp.int32),
            pltpu.VMEM((K, D), jnp.float32),
            pltpu.VMEM((K, D), jnp.float32),
            pltpu.VMEM((K, D), jnp.float32),
            pltpu.VMEM((K, D), jnp.float32),
            pltpu.VMEM((K, D), jnp.float32),
            pltpu.VMEM((K, D), jnp.float32),
            pltpu.VMEM((K, D), jnp.float32),
            pltpu.VMEM((K, D), jnp.float32),
            pltpu.VMEM_SHARED((N_NODES, D), jnp.float32),
            pltpu.SemaphoreType.DMA,
            pltpu.SemaphoreType.DMA,
            pltpu.SemaphoreType.DMA,
            pltpu.SemaphoreType.DMA,
        ],
    )


def _node_body(x_ref, g0_ref, g1_ref, batch_ref, wxn_ref, wan_ref, bn_ref,
               wg5_ref, bg5_ref, node_ref, glob_ref, acc_ref):
    i = pl.program_id(0)
    nsteps = pl.num_programs(0)
    x = x_ref[...]
    ag = g0_ref[...] + g1_ref[...]
    node_ref[...] = (
        jnp.dot(x, wxn_ref[...], preferred_element_type=jnp.float32)
        + jnp.dot(ag, wan_ref[...], preferred_element_type=jnp.float32)
        + bn_ref[...]
    )
    g5 = (
        jnp.dot(x, wg5_ref[: D, :], preferred_element_type=jnp.float32)
        + jnp.dot(ag, wg5_ref[D:, :], preferred_element_type=jnp.float32)
        + bg5_ref[...]
    )
    b = batch_ref[0, 0, :]
    onehot = (
        b[:, None] == lax.broadcasted_iota(jnp.int32, (1, NG), 1)
    ).astype(jnp.float32)
    part = lax.dot_general(
        onehot, g5, (((0,), (0,)), ((), ())),
        preferred_element_type=jnp.float32,
    )

    @pl.when(i == 0)
    def _():
        acc_ref[...] = part

    @pl.when(i > 0)
    def _():
        acc_ref[...] = acc_ref[...] + part

    @pl.when(i == nsteps - 1)
    def _():
        acc = acc_ref[...]
        glob_ref[...] = acc[:, :NOUT_G] / jnp.maximum(acc[:, NOUT_G:NOUT_G + 1], 1.0)


def _make_node(rows_blk):
    nb = N_NODES // rows_blk
    return pl.pallas_call(
        _node_body,
        grid=(nb,),
        in_specs=[
            pl.BlockSpec((rows_blk, D), lambda i: (i, 0)),
            pl.BlockSpec((rows_blk, D), lambda i: (i, 0)),
            pl.BlockSpec((rows_blk, D), lambda i: (i, 0)),
            pl.BlockSpec((1, 1, rows_blk), lambda i: (i, 0, 0)),
            pl.BlockSpec((D, D), lambda i: (0, 0)),
            pl.BlockSpec((D, D), lambda i: (0, 0)),
            pl.BlockSpec((1, D), lambda i: (0, 0)),
            pl.BlockSpec((2 * D, NOUT_G + 1), lambda i: (0, 0)),
            pl.BlockSpec((1, NOUT_G + 1), lambda i: (0, 0)),
        ],
        out_specs=[
            pl.BlockSpec((rows_blk, D), lambda i: (i, 0)),
            pl.BlockSpec((NG, NOUT_G), lambda i: (0, 0)),
        ],
        out_shape=[
            jax.ShapeDtypeStruct((N_NODES, D), jnp.float32),
            jax.ShapeDtypeStruct((NG, NOUT_G), jnp.float32),
        ],
        scratch_shapes=[pltpu.VMEM((NG, NOUT_G + 1), jnp.float32)],
    )


@jax.jit
def kernel(x, edge_index, edge_features, batch, W_e, b_e, W_n, b_n):
    receivers = edge_index[0]
    senders = edge_index[1]

    a, b = _make_ab(2000)(x, W_e[:D, :], W_e[D:2 * D, :])
    c = _make_c(4000)(edge_features, W_e[2 * D:, :], b_e.reshape(1, D))

    agg = _get_sc_agg()(receivers, senders, a, b, c)

    wg5 = jnp.zeros((2 * D, NOUT_G + 1), jnp.float32).at[:, :NOUT_G].set(
        W_n[:, :NOUT_G]
    )
    bg5 = jnp.zeros((1, NOUT_G + 1), jnp.float32).at[0, :NOUT_G].set(
        b_n[:NOUT_G]
    ).at[0, NOUT_G].set(1.0)

    node_out, global_output = _make_node(2000)(
        x, agg[0], agg[1], batch.reshape(5, 1, 2000),
        W_n[:D, NOUT_G:], W_n[D:, NOUT_G:], b_n[NOUT_G:].reshape(1, D),
        wg5, bg5,
    )
    return node_out, global_output

# --- scband reference (transcript-rebuilt; emitter-appended) ---
"""Pipeline reference for scband-gnn-24945170055804 (READ-ONLY COPY).

The authoritative reference and input builder live on the scoring server;
editing this copy changes nothing except your own understanding.
"""

import jax, jax.numpy as jnp
import numpy as np

N_NODES = 10000
N_EDGES = 320000
D_FEAT = 128
D_EDGE = 16
NFEAT_OUT = 128
NFEAT_OUT_GLOBAL = 4
N_GRAPHS = 16


def setup_inputs(seed: int = 0) -> dict:
    key = jax.random.key(seed)
    ks = jax.random.split(key, 8)
    x = jax.random.normal(ks[0], (N_NODES, D_FEAT), dtype=jnp.float32)
    edge_index = jax.random.randint(ks[1], (2, N_EDGES), 0, N_NODES, dtype=jnp.int32)
    edge_features = jax.random.normal(ks[2], (N_EDGES, D_EDGE), dtype=jnp.float32)
    batch = jnp.sort(jax.random.randint(ks[3], (N_NODES,), 0, N_GRAPHS, dtype=jnp.int32))
    # learned_model parameters: one-round message-passing GNN (edge MLP -> scatter-add -> node MLP)
    W_e = jax.random.normal(ks[4], (2 * D_FEAT + D_EDGE, D_FEAT), dtype=jnp.float32) * 0.05
    b_e = jnp.zeros((D_FEAT,), dtype=jnp.float32)
    W_n = jax.random.normal(ks[5], (2 * D_FEAT, NFEAT_OUT + NFEAT_OUT_GLOBAL), dtype=jnp.float32) * 0.05
    b_n = jnp.zeros((NFEAT_OUT + NFEAT_OUT_GLOBAL,), dtype=jnp.float32)
    return {"x": x, "edge_index": edge_index, "edge_features": edge_features, "batch": batch,
            "W_e": W_e, "b_e": b_e, "W_n": W_n, "b_n": b_n}


def reference(x, edge_index, edge_features, batch, W_e, b_e, W_n, b_n):
    # preprocess: mesh_edges EdgeSet with receivers=edge_index[0], senders=edge_index[1]
    receivers = edge_index[0]
    senders = edge_index[1]
    # learned_model: message passing over the mesh edge set
    edge_in = jnp.concatenate([x[senders], x[receivers], edge_features], axis=-1)
    msg = jax.nn.relu(edge_in @ W_e + b_e)
    agg = jax.ops.segment_sum(msg, receivers, num_segments=x.shape[0])
    node_in = jnp.concatenate([x, agg], axis=-1)
    node_output = node_in @ W_n + b_n
    # global readout: scatter_mean of first nfeat_out_global columns over batch ids
    g = node_output[:, :NFEAT_OUT_GLOBAL]
    ones = jnp.ones((x.shape[0], 1), dtype=x.dtype)
    counts = jax.ops.segment_sum(ones, batch, num_segments=N_GRAPHS)
    global_output = jax.ops.segment_sum(g, batch, num_segments=N_GRAPHS) / jnp.maximum(counts, 1.0)
    node_out = node_output[:, NFEAT_OUT_GLOBAL:]
    return node_out, global_output

if __name__ == "__main__":
    import jax
    _d = setup_inputs()
    print(jax.jit(kernel)(*tuple(_d.values())))

</pallas_src>

<mosaic_0001>
#map = affine_map<(d0, d1) -> (0)>
#map1 = affine_map<(d0, d1) -> (0, 0)>
#map2 = affine_map<(d0, d1) -> (0, 0, 0)>
module attributes {stable_mosaic.version = 14 : i64} {
  func.func @_sc_body(%arg0: i32, %arg1: i32, %arg2: memref<320000xi32, #tpu.memory_space<hbm>>, %arg3: memref<320000xi32, #tpu.memory_space<hbm>>, %arg4: memref<10000x128xf32, #tpu.memory_space<hbm>>, %arg5: memref<10000x128xf32, #tpu.memory_space<hbm>>, %arg6: memref<320000x128xf32, #tpu.memory_space<hbm>>, %arg7: memref<2x10000x128xf32, #tpu.memory_space<hbm>>, %arg8: memref<40xi32, #tpu.memory_space<vmem>>, %arg9: memref<40xi32, #tpu.memory_space<vmem>>, %arg10: memref<2000xi32, #tpu.memory_space<vmem>>, %arg11: memref<2000xi32, #tpu.memory_space<vmem>>, %arg12: memref<40x128xf32, #tpu.memory_space<vmem>>, %arg13: memref<40x128xf32, #tpu.memory_space<vmem>>, %arg14: memref<40x128xf32, #tpu.memory_space<vmem>>, %arg15: memref<40x128xf32, #tpu.memory_space<vmem>>, %arg16: memref<40x128xf32, #tpu.memory_space<vmem>>, %arg17: memref<40x128xf32, #tpu.memory_space<vmem>>, %arg18: memref<40x128xf32, #tpu.memory_space<vmem>>, %arg19: memref<40x128xf32, #tpu.memory_space<vmem>>, %arg20: memref<10000x128xf32, #tpu.memory_space<vmem_shared>>, %arg21: memref<!tpu.dma_semaphore, #tpu.memory_space<semaphore_mem>>, %arg22: memref<!tpu.dma_semaphore, #tpu.memory_space<semaphore_mem>>, %arg23: memref<!tpu.dma_semaphore, #tpu.memory_space<semaphore_mem>>, %arg24: memref<!tpu.dma_semaphore, #tpu.memory_space<semaphore_mem>>) attributes {dimension_semantics = [#tpu.dimension_semantics<core_parallel>, #tpu.dimension_semantics<subcore_parallel>], iteration_bounds = array<i64: 2, 16>, scalar_prefetch = 0 : i64, scratch_operands = 17 : i64, tpu.core_type = #tpu.core_type<sc_vector_subcore>, window_params = [{transform_indices = #map}, {transform_indices = #map}, {transform_indices = #map1}, {transform_indices = #map1}, {transform_indices = #map1}, {transform_indices = #map2}]} {
    %mul3A = arith.constant 2 : i32
    %mul3A_0 = arith.muli %arg1, %mul3A : i32
    %add3A = arith.addi %mul3A_0, %arg0 : i32
    %scan3A = arith.constant 0 : i32
    %scan3A_1 = arith.constant 0 : i32
    %scan3A_2 = arith.constant 40 : i32
    %scan3A_3 = arith.addi %scan3A_1, %scan3A_2 : i32
    %scan3A_4 = arith.constant 1 : i32
    scf.for %scan3A_116 = %scan3A_1 to %scan3A_3 step %scan3A_4  : i32 {
      %broadcast_in_dim3A = arith.constant 0.000000e+00 : f32
      %broadcast_in_dim3A_117 = vector.broadcast %broadcast_in_dim3A : f32 to vector<16xf32>
      %swap3A = arith.index_cast %scan3A_116 : i32 to index
      %swap3A_118 = arith.constant 0 : index
      %swap3A_119 = tpu.vector_load %arg18[%swap3A, %swap3A_118] {strides = array<i32>} : memref<40x128xf32, #tpu.memory_space<vmem>>, vector<1x16xf32>,
      %swap3A_120 = vector.shape_cast %swap3A_119 : vector<1x16xf32> to vector<16xf32>
      %swap3A_121 = vector.shape_cast %broadcast_in_dim3A_117 : vector<16xf32> to vector<1x16xf32>
      tpu.vector_store %arg18[%swap3A, %swap3A_118], %swap3A_121 {strides = array<i32>} : memref<40x128xf32, #tpu.memory_space<vmem>>, vector<1x16xf32>,
      %broadcast_in_dim3A_122 = arith.constant 0.000000e+00 : f32
      %broadcast_in_dim3A_123 = vector.broadcast %broadcast_in_dim3A_122 : f32 to vector<16xf32>
      %swap3A_124 = arith.index_cast %scan3A_116 : i32 to index
      %swap3A_125 = arith.constant 16 : index
      %swap3A_126 = tpu.vector_load %arg18[%swap3A_124, %swap3A_125] {strides = array<i32>} : memref<40x128xf32, #tpu.memory_space<vmem>>, vector<1x16xf32>,
      %swap3A_127 = vector.shape_cast %swap3A_126 : vector<1x16xf32> to vector<16xf32>
      %swap3A_128 = vector.shape_cast %broadcast_in_dim3A_123 : vector<16xf32> to vector<1x16xf32>
      tpu.vector_store %arg18[%swap3A_124, %swap3A_125], %swap3A_128 {strides = array<i32>} : memref<40x128xf32, #tpu.memory_space<vmem>>, vector<1x16xf32>,
      %broadcast_in_dim3A_129 = arith.constant 0.000000e+00 : f32
      %broadcast_in_dim3A_130 = vector.broadcast %broadcast_in_dim3A_129 : f32 to vector<16xf32>
      %swap3A_131 = arith.index_cast %scan3A_116 : i32 to index
      %swap3A_132 = arith.constant 32 : index
      %swap3A_133 = tpu.vector_load %arg18[%swap3A_131, %swap3A_132] {strides = array<i32>} : memref<40x128xf32, #tpu.memory_space<vmem>>, vector<1x16xf32>,
      %swap3A_134 = vector.shape_cast %swap3A_133 : vector<1x16xf32> to vector<16xf32>
      %swap3A_135 = vector.shape_cast %broadcast_in_dim3A_130 : vector<16xf32> to vector<1x16xf32>
      tpu.vector_store %arg18[%swap3A_131, %swap3A_132], %swap3A_135 {strides = array<i32>} : memref<40x128xf32, #tpu.memory_space<vmem>>, vector<1x16xf32>,
      %broadcast_in_dim3A_136 = arith.constant 0.000000e+00 : f32
      %broadcast_in_dim3A_137 = vector.broadcast %broadcast_in_dim3A_136 : f32 to vector<16xf32>
      %swap3A_138 = arith.index_cast %scan3A_116 : i32 to index
      %swap3A_139 = arith.constant 48 : index
      %swap3A_140 = tpu.vector_load %arg18[%swap3A_138, %swap3A_139] {strides = array<i32>} : memref<40x128xf32, #tpu.memory_space<vmem>>, vector<1x16xf32>,
      %swap3A_141 = vector.shape_cast %swap3A_140 : vector<1x16xf32> to vector<16xf32>
      %swap3A_142 = vector.shape_cast %broadcast_in_dim3A_137 : vector<16xf32> to vector<1x16xf32>
      tpu.vector_store %arg18[%swap3A_138, %swap3A_139], %swap3A_142 {strides = array<i32>} : memref<40x128xf32, #tpu.memory_space<vmem>>, vector<1x16xf32>,
      %broadcast_in_dim3A_143 = arith.constant 0.000000e+00 : f32
      %broadcast_in_dim3A_144 = vector.broadcast %broadcast_in_dim3A_143 : f32 to vector<16xf32>
      %swap3A_145 = arith.index_cast %scan3A_116 : i32 to index
      %swap3A_146 = arith.constant 64 : index
      %swap3A_147 = tpu.vector_load %arg18[%swap3A_145, %swap3A_146] {strides = array<i32>} : memref<40x128xf32, #tpu.memory_space<vmem>>, vector<1x16xf32>,
      %swap3A_148 = vector.shape_cast %swap3A_147 : vector<1x16xf32> to vector<16xf32>
      %swap3A_149 = vector.shape_cast %broadcast_in_dim3A_144 : vector<16xf32> to vector<1x16xf32>
      tpu.vector_store %arg18[%swap3A_145, %swap3A_146], %swap3A_149 {strides = array<i32>} : memref<40x128xf32, #tpu.memory_space<vmem>>, vector<1x16xf32>,
      %broadcast_in_dim3A_150 = arith.constant 0.000000e+00 : f32
      %broadcast_in_dim3A_151 = vector.broadcast %broadcast_in_dim3A_150 : f32 to vector<16xf32>
      %swap3A_152 = arith.index_cast %scan3A_116 : i32 to index
      %swap3A_153 = arith.constant 80 : index
      %swap3A_154 = tpu.vector_load %arg18[%swap3A_152, %swap3A_153] {strides = array<i32>} : memref<40x128xf32, #tpu.memory_space<vmem>>, vector<1x16xf32>,
      %swap3A_155 = vector.shape_cast %swap3A_154 : vector<1x16xf32> to vector<16xf32>
      %swap3A_156 = vector.shape_cast %broadcast_in_dim3A_151 : vector<16xf32> to vector<1x16xf32>
      tpu.vector_store %arg18[%swap3A_152, %swap3A_153], %swap3A_156 {strides = array<i32>} : memref<40x128xf32, #tpu.memory_space<vmem>>, vector<1x16xf32>,
      %broadcast_in_dim3A_157 = arith.constant 0.000000e+00 : f32
      %broadcast_in_dim3A_158 = vector.broadcast %broadcast_in_dim3A_157 : f32 to vector<16xf32>
      %swap3A_159 = arith.index_cast %scan3A_116 : i32 to index
      %swap3A_160 = arith.constant 96 : index
      %swap3A_161 = tpu.vector_load %arg18[%swap3A_159, %swap3A_160] {strides = array<i32>} : memref<40x128xf32, #tpu.memory_space<vmem>>, vector<1x16xf32>,
      %swap3A_162 = vector.shape_cast %swap3A_161 : vector<1x16xf32> to vector<16xf32>
      %swap3A_163 = vector.shape_cast %broadcast_in_dim3A_158 : vector<16xf32> to vector<1x16xf32>
      tpu.vector_store %arg18[%swap3A_159, %swap3A_160], %swap3A_163 {strides = array<i32>} : memref<40x128xf32, #tpu.memory_space<vmem>>, vector<1x16xf32>,
      %broadcast_in_dim3A_164 = arith.constant 0.000000e+00 : f32
      %broadcast_in_dim3A_165 = vector.broadcast %broadcast_in_dim3A_164 : f32 to vector<16xf32>
      %swap3A_166 = arith.index_cast %scan3A_116 : i32 to index
      %swap3A_167 = arith.constant 112 : index
      %swap3A_168 = tpu.vector_load %arg18[%swap3A_166, %swap3A_167] {strides = array<i32>} : memref<40x128xf32, #tpu.memory_space<vmem>>, vector<1x16xf32>,
      %swap3A_169 = vector.shape_cast %swap3A_168 : vector<1x16xf32> to vector<16xf32>
      %swap3A_170 = vector.shape_cast %broadcast_in_dim3A_165 : vector<16xf32> to vector<1x16xf32>
      tpu.vector_store %arg18[%swap3A_166, %swap3A_167], %swap3A_170 {strides = array<i32>} : memref<40x128xf32, #tpu.memory_space<vmem>>, vector<1x16xf32>,
    }
    %scan3A_5 = arith.constant 40 : i32
    %mul3A_6 = arith.constant 624 : i32
    %mul3A_7 = arith.muli %arg1, %mul3A_6 : i32
    %add3A_8 = arith.constant 0 : i32
    %add3A_9 = arith.addi %mul3A_7, %add3A_8 : i32
    "tpu.region"() ({
      %run_scoped3A = tpu.sem_alloc : memref<!tpu.dma_semaphore, #tpu.memory_space<semaphore_mem>>
      %dma_start3A_116 = arith.constant 0 : i32
      %dma_start3A_117 = tpu.memref_slice %arg20[%add3A_9, %dma_start3A_116] : memref<10000x128xf32, #tpu.memory_space<vmem_shared>> -> memref<40x128xf32, #tpu.memory_space<vmem_shared>>
      %dma_start3A_118 = arith.constant 0 : i32
      %dma_start3A_119 = tpu.memref_slice %arg20[%add3A_9, %dma_start3A_118] : memref<10000x128xf32, #tpu.memory_space<vmem_shared>> -> memref<40x128xf32, #tpu.memory_space<vmem_shared>>
      tpu.enqueue_dma source(%arg18 : memref<40x128xf32, #tpu.memory_space<vmem>>) target(%dma_start3A_119 : memref<40x128xf32, #tpu.memory_space<vmem_shared>>) target_semaphore(%run_scoped3A : memref<!tpu.dma_semaphore, #tpu.memory_space<semaphore_mem>>)
      %dma_wait3A_120 = arith.constant 0 : i32
      %dma_wait3A_121 = tpu.memref_slice %arg20[%add3A_9, %dma_wait3A_120] : memref<10000x128xf32, #tpu.memory_space<vmem_shared>> -> memref<40x128xf32, #tpu.memory_space<vmem_shared>>
      %dma_wait3A_122 = arith.constant 0 : i32
      %dma_wait3A_123 = tpu.memref_slice %arg20[%add3A_9, %dma_wait3A_122] : memref<10000x128xf32, #tpu.memory_space<vmem_shared>> -> memref<40x128xf32, #tpu.memory_space<vmem_shared>>
      tpu.wait_dma2 semaphore(%run_scoped3A : memref<!tpu.dma_semaphore, #tpu.memory_space<semaphore_mem>>) src(%arg18 : memref<40x128xf32, #tpu.memory_space<vmem>>) dst(%dma_wait3A_123 : memref<40x128xf32, #tpu.memory_space<vmem_shared>>)
      tpu.yield
    }) : () -> ()
    %mul3A_10 = arith.constant 624 : i32
    %mul3A_11 = arith.muli %arg1, %mul3A_10 : i32
    %add3A_12 = arith.constant 40 : i32
    %add3A_13 = arith.addi %mul3A_11, %add3A_12 : i32
    "tpu.region"() ({
      %run_scoped3A = tpu.sem_alloc : memref<!tpu.dma_semaphore, #tpu.memory_space<semaphore_mem>>
      %dma_start3A_116 = arith.constant 0 : i32
      %dma_start3A_117 = tpu.memref_slice %arg20[%add3A_13, %dma_start3A_116] : memref<10000x128xf32, #tpu.memory_space<vmem_shared>> -> memref<40x128xf32, #tpu.memory_space<vmem_shared>>
      %dma_start3A_118 = arith.constant 0 : i32
      %dma_start3A_119 = tpu.memref_slice %arg20[%add3A_13, %dma_start3A_118] : memref<10000x128xf32, #tpu.memory_space<vmem_shared>> -> memref<40x128xf32, #tpu.memory_space<vmem_shared>>
      tpu.enqueue_dma source(%arg18 : memref<40x128xf32, #tpu.memory_space<vmem>>) target(%dma_start3A_119 : memref<40x128xf32, #tpu.memory_space<vmem_shared>>) target_semaphore(%run_scoped3A : memref<!tpu.dma_semaphore, #tpu.memory_space<semaphore_mem>>)
      %dma_wait3A_120 = arith.constant 0 : i32
      %dma_wait3A_121 = tpu.memref_slice %arg20[%add3A_13, %dma_wait3A_120] : memref<10000x128xf32, #tpu.memory_space<vmem_shared>> -> memref<40x128xf32, #tpu.memory_space<vmem_shared>>
      %dma_wait3A_122 = arith.constant 0 : i32
      %dma_wait3A_123 = tpu.memref_slice %arg20[%add3A_13, %dma_wait3A_122] : memref<10000x128xf32, #tpu.memory_space<vmem_shared>> -> memref<40x128xf32, #tpu.memory_space<vmem_shared>>
      tpu.wait_dma2 semaphore(%run_scoped3A : memref<!tpu.dma_semaphore, #tpu.memory_space<semaphore_mem>>) src(%arg18 : memref<40x128xf32, #tpu.memory_space<vmem>>) dst(%dma_wait3A_123 : memref<40x128xf32, #tpu.memory_space<vmem_shared>>)
      tpu.yield
    }) : () -> ()
    %mul3A_14 = arith.constant 624 : i32
    %mul3A_15 = arith.muli %arg1, %mul3A_14 : i32
    %add3A_16 = arith.constant 80 : i32
    %add3A_17 = arith.addi %mul3A_15, %add3A_16 : i32
    "tpu.region"() ({
      %run_scoped3A = tpu.sem_alloc : memref<!tpu.dma_semaphore, #tpu.memory_space<semaphore_mem>>
      %dma_start3A_116 = arith.constant 0 : i32
      %dma_start3A_117 = tpu.memref_slice %arg20[%add3A_17, %dma_start3A_116] : memref<10000x128xf32, #tpu.memory_space<vmem_shared>> -> memref<40x128xf32, #tpu.memory_space<vmem_shared>>
      %dma_start3A_118 = arith.constant 0 : i32
      %dma_start3A_119 = tpu.memref_slice %arg20[%add3A_17, %dma_start3A_118] : memref<10000x128xf32, #tpu.memory_space<vmem_shared>> -> memref<40x128xf32, #tpu.memory_space<vmem_shared>>
      tpu.enqueue_dma source(%arg18 : memref<40x128xf32, #tpu.memory_space<vmem>>) target(%dma_start3A_119 : memref<40x128xf32, #tpu.memory_space<vmem_shared>>) target_semaphore(%run_scoped3A : memref<!tpu.dma_semaphore, #tpu.memory_space<semaphore_mem>>)
      %dma_wait3A_120 = arith.constant 0 : i32
      %dma_wait3A_121 = tpu.memref_slice %arg20[%add3A_17, %dma_wait3A_120] : memref<10000x128xf32, #tpu.memory_space<vmem_shared>> -> memref<40x128xf32, #tpu.memory_space<vmem_shared>>
      %dma_wait3A_122 = arith.constant 0 : i32
      %dma_wait3A_123 = tpu.memref_slice %arg20[%add3A_17, %dma_wait3A_122] : memref<10000x128xf32, #tpu.memory_space<vmem_shared>> -> memref<40x128xf32, #tpu.memory_space<vmem_shared>>
      tpu.wait_dma2 semaphore(%run_scoped3A : memref<!tpu.dma_semaphore, #tpu.memory_space<semaphore_mem>>) src(%arg18 : memref<40x128xf32, #tpu.memory_space<vmem>>) dst(%dma_wait3A_123 : memref<40x128xf32, #tpu.memory_space<vmem_shared>>)
      tpu.yield
    }) : () -> ()
    %mul3A_18 = arith.constant 624 : i32
    %mul3A_19 = arith.muli %arg1, %mul3A_18 : i32
    %add3A_20 = arith.constant 120 : i32
    %add3A_21 = arith.addi %mul3A_19, %add3A_20 : i32
    "tpu.region"() ({
      %run_scoped3A = tpu.sem_alloc : memref<!tpu.dma_semaphore, #tpu.memory_space<semaphore_mem>>
      %dma_start3A_116 = arith.constant 0 : i32
      %dma_start3A_117 = tpu.memref_slice %arg20[%add3A_21, %dma_start3A_116] : memref<10000x128xf32, #tpu.memory_space<vmem_shared>> -> memref<40x128xf32, #tpu.memory_space<vmem_shared>>
      %dma_start3A_118 = arith.constant 0 : i32
      %dma_start3A_119 = tpu.memref_slice %arg20[%add3A_21, %dma_start3A_118] : memref<10000x128xf32, #tpu.memory_space<vmem_shared>> -> memref<40x128xf32, #tpu.memory_space<vmem_shared>>
      tpu.enqueue_dma source(%arg18 : memref<40x128xf32, #tpu.memory_space<vmem>>) target(%dma_start3A_119 : memref<40x128xf32, #tpu.memory_space<vmem_shared>>) target_semaphore(%run_scoped3A : memref<!tpu.dma_semaphore, #tpu.memory_space<semaphore_mem>>)
      %dma_wait3A_120 = arith.constant 0 : i32
      %dma_wait3A_121 = tpu.memref_slice %arg20[%add3A_21, %dma_wait3A_120] : memref<10000x128xf32, #tpu.memory_space<vmem_shared>> -> memref<40x128xf32, #tpu.memory_space<vmem_shared>>
      %dma_wait3A_122 = arith.constant 0 : i32
      %dma_wait3A_123 = tpu.memref_slice %arg20[%add3A_21, %dma_wait3A_122] : memref<10000x128xf32, #tpu.memory_space<vmem_shared>> -> memref<40x128xf32, #tpu.memory_space<vmem_shared>>
      tpu.wait_dma2 semaphore(%run_scoped3A : memref<!tpu.dma_semaphore, #tpu.memory_space<semaphore_mem>>) src(%arg18 : memref<40x128xf32, #tpu.memory_space<vmem>>) dst(%dma_wait3A_123 : memref<40x128xf32, #tpu.memory_space<vmem_shared>>)
      tpu.yield
    }) : () -> ()
    %mul3A_22 = arith.constant 624 : i32
    %mul3A_23 = arith.muli %arg1, %mul3A_22 : i32
    %add3A_24 = arith.constant 160 : i32
    %add3A_25 = arith.addi %mul3A_23, %add3A_24 : i32
    "tpu.region"() ({
      %run_scoped3A = tpu.sem_alloc : memref<!tpu.dma_semaphore, #tpu.memory_space<semaphore_mem>>
      %dma_start3A_116 = arith.constant 0 : i32
      %dma_start3A_117 = tpu.memref_slice %arg20[%add3A_25, %dma_start3A_116] : memref<10000x128xf32, #tpu.memory_space<vmem_shared>> -> memref<40x128xf32, #tpu.memory_space<vmem_shared>>
      %dma_start3A_118 = arith.constant 0 : i32
      %dma_start3A_119 = tpu.memref_slice %arg20[%add3A_25, %dma_start3A_118] : memref<10000x128xf32, #tpu.memory_space<vmem_shared>> -> memref<40x128xf32, #tpu.memory_space<vmem_shared>>
      tpu.enqueue_dma source(%arg18 : memref<40x128xf32, #tpu.memory_space<vmem>>) target(%dma_start3A_119 : memref<40x128xf32, #tpu.memory_space<vmem_shared>>) target_semaphore(%run_scoped3A : memref<!tpu.dma_semaphore, #tpu.memory_space<semaphore_mem>>)
      %dma_wait3A_120 = arith.constant 0 : i32
      %dma_wait3A_121 = tpu.memref_slice %arg20[%add3A_25, %dma_wait3A_120] : memref<10000x128xf32, #tpu.memory_space<vmem_shared>> -> memref<40x128xf32, #tpu.memory_space<vmem_shared>>
      %dma_wait3A_122 = arith.constant 0 : i32
      %dma_wait3A_123 = tpu.memref_slice %arg20[%add3A_25, %dma_wait3A_122] : memref<10000x128xf32, #tpu.memory_space<vmem_shared>> -> memref<40x128xf32, #tpu.memory_space<vmem_shared>>
      tpu.wait_dma2 semaphore(%run_scoped3A : memref<!tpu.dma_semaphore, #tpu.memory_space<semaphore_mem>>) src(%arg18 : memref<40x128xf32, #tpu.memory_space<vmem>>) dst(%dma_wait3A_123 : memref<40x128xf32, #tpu.memory_space<vmem_shared>>)
      tpu.yield
    }) : () -> ()
    %mul3A_26 = arith.constant 624 : i32
    %mul3A_27 = arith.muli %arg1, %mul3A_26 : i32
    %add3A_28 = arith.constant 200 : i32
    %add3A_29 = arith.addi %mul3A_27, %add3A_28 : i32
    "tpu.region"() ({
      %run_scoped3A = tpu.sem_alloc : memref<!tpu.dma_semaphore, #tpu.memory_space<semaphore_mem>>
      %dma_start3A_116 = arith.constant 0 : i32
      %dma_start3A_117 = tpu.memref_slice %arg20[%add3A_29, %dma_start3A_116] : memref<10000x128xf32, #tpu.memory_space<vmem_shared>> -> memref<40x128xf32, #tpu.memory_space<vmem_shared>>
      %dma_start3A_118 = arith.constant 0 : i32
      %dma_start3A_119 = tpu.memref_slice %arg20[%add3A_29, %dma_start3A_118] : memref<10000x128xf32, #tpu.memory_space<vmem_shared>> -> memref<40x128xf32, #tpu.memory_space<vmem_shared>>
      tpu.enqueue_dma source(%arg18 : memref<40x128xf32, #tpu.memory_space<vmem>>) target(%dma_start3A_119 : memref<40x128xf32, #tpu.memory_space<vmem_shared>>) target_semaphore(%run_scoped3A : memref<!tpu.dma_semaphore, #tpu.memory_space<semaphore_mem>>)
      %dma_wait3A_120 = arith.constant 0 : i32
      %dma_wait3A_121 = tpu.memref_slice %arg20[%add3A_29, %dma_wait3A_120] : memref<10000x128xf32, #tpu.memory_space<vmem_shared>> -> memref<40x128xf32, #tpu.memory_space<vmem_shared>>
      %dma_wait3A_122 = arith.constant 0 : i32
      %dma_wait3A_123 = tpu.memref_slice %arg20[%add3A_29, %dma_wait3A_122] : memref<10000x128xf32, #tpu.memory_space<vmem_shared>> -> memref<40x128xf32, #tpu.memory_space<vmem_shared>>
      tpu.wait_dma2 semaphore(%run_scoped3A : memref<!tpu.dma_semaphore, #tpu.memory_space<semaphore_mem>>) src(%arg18 : memref<40x128xf32, #tpu.memory_space<vmem>>) dst(%dma_wait3A_123 : memref<40x128xf32, #tpu.memory_space<vmem_shared>>)
      tpu.yield
    }) : () -> ()
    %mul3A_30 = arith.constant 624 : i32
    %mul3A_31 = arith.muli %arg1, %mul3A_30 : i32
    %add3A_32 = arith.constant 240 : i32
    %add3A_33 = arith.addi %mul3A_31, %add3A_32 : i32
    "tpu.region"() ({
      %run_scoped3A = tpu.sem_alloc : memref<!tpu.dma_semaphore, #tpu.memory_space<semaphore_mem>>
      %dma_start3A_116 = arith.constant 0 : i32
      %dma_start3A_117 = tpu.memref_slice %arg20[%add3A_33, %dma_start3A_116] : memref<10000x128xf32, #tpu.memory_space<vmem_shared>> -> memref<40x128xf32, #tpu.memory_space<vmem_shared>>
      %dma_start3A_118 = arith.constant 0 : i32
      %dma_start3A_119 = tpu.memref_slice %arg20[%add3A_33, %dma_start3A_118] : memref<10000x128xf32, #tpu.memory_space<vmem_shared>> -> memref<40x128xf32, #tpu.memory_space<vmem_shared>>
      tpu.enqueue_dma source(%arg18 : memref<40x128xf32, #tpu.memory_space<vmem>>) target(%dma_start3A_119 : memref<40x128xf32, #tpu.memory_space<vmem_shared>>) target_semaphore(%run_scoped3A : memref<!tpu.dma_semaphore, #tpu.memory_space<semaphore_mem>>)
      %dma_wait3A_120 = arith.constant 0 : i32
      %dma_wait3A_121 = tpu.memref_slice %arg20[%add3A_33, %dma_wait3A_120] : memref<10000x128xf32, #tpu.memory_space<vmem_shared>> -> memref<40x128xf32, #tpu.memory_space<vmem_shared>>
      %dma_wait3A_122 = arith.constant 0 : i32
      %dma_wait3A_123 = tpu.memref_slice %arg20[%add3A_33, %dma_wait3A_122] : memref<10000x128xf32, #tpu.memory_space<vmem_shared>> -> memref<40x128xf32, #tpu.memory_space<vmem_shared>>
      tpu.wait_dma2 semaphore(%run_scoped3A : memref<!tpu.dma_semaphore, #tpu.memory_space<semaphore_mem>>) src(%arg18 : memref<40x128xf32, #tpu.memory_space<vmem>>) dst(%dma_wait3A_123 : memref<40x128xf32, #tpu.memory_space<vmem_shared>>)
      tpu.yield
    }) : () -> ()
    %mul3A_34 = arith.constant 624 : i32
    %mul3A_35 = arith.muli %arg1, %mul3A_34 : i32
    %add3A_36 = arith.constant 280 : i32
    %add3A_37 = arith.addi %mul3A_35, %add3A_36 : i32
    "tpu.region"() ({
      %run_scoped3A = tpu.sem_alloc : memref<!tpu.dma_semaphore, #tpu.memory_space<semaphore_mem>>
      %dma_start3A_116 = arith.constant 0 : i32
      %dma_start3A_117 = tpu.memref_slice %arg20[%add3A_37, %dma_start3A_116] : memref<10000x128xf32, #tpu.memory_space<vmem_shared>> -> memref<40x128xf32, #tpu.memory_space<vmem_shared>>
      %dma_start3A_118 = arith.constant 0 : i32
      %dma_start3A_119 = tpu.memref_slice %arg20[%add3A_37, %dma_start3A_118] : memref<10000x128xf32, #tpu.memory_space<vmem_shared>> -> memref<40x128xf32, #tpu.memory_space<vmem_shared>>
      tpu.enqueue_dma source(%arg18 : memref<40x128xf32, #tpu.memory_space<vmem>>) target(%dma_start3A_119 : memref<40x128xf32, #tpu.memory_space<vmem_shared>>) target_semaphore(%run_scoped3A : memref<!tpu.dma_semaphore, #tpu.memory_space<semaphore_mem>>)
      %dma_wait3A_120 = arith.constant 0 : i32
      %dma_wait3A_121 = tpu.memref_slice %arg20[%add3A_37, %dma_wait3A_120] : memref<10000x128xf32, #tpu.memory_space<vmem_shared>> -> memref<40x128xf32, #tpu.memory_space<vmem_shared>>
      %dma_wait3A_122 = arith.constant 0 : i32
      %dma_wait3A_123 = tpu.memref_slice %arg20[%add3A_37, %dma_wait3A_122] : memref<10000x128xf32, #tpu.memory_space<vmem_shared>> -> memref<40x128xf32, #tpu.memory_space<vmem_shared>>
      tpu.wait_dma2 semaphore(%run_scoped3A : memref<!tpu.dma_semaphore, #tpu.memory_space<semaphore_mem>>) src(%arg18 : memref<40x128xf32, #tpu.memory_space<vmem>>) dst(%dma_wait3A_123 : memref<40x128xf32, #tpu.memory_space<vmem_shared>>)
      tpu.yield
    }) : () -> ()
    %mul3A_38 = arith.constant 624 : i32
    %mul3A_39 = arith.muli %arg1, %mul3A_38 : i32
    %add3A_40 = arith.constant 320 : i32
    %add3A_41 = arith.addi %mul3A_39, %add3A_40 : i32
    "tpu.region"() ({
      %run_scoped3A = tpu.sem_alloc : memref<!tpu.dma_semaphore, #tpu.memory_space<semaphore_mem>>
      %dma_start3A_116 = arith.constant 0 : i32
      %dma_start3A_117 = tpu.memref_slice %arg20[%add3A_41, %dma_start3A_116] : memref<10000x128xf32, #tpu.memory_space<vmem_shared>> -> memref<40x128xf32, #tpu.memory_space<vmem_shared>>
      %dma_start3A_118 = arith.constant 0 : i32
      %dma_start3A_119 = tpu.memref_slice %arg20[%add3A_41, %dma_start3A_118] : memref<10000x128xf32, #tpu.memory_space<vmem_shared>> -> memref<40x128xf32, #tpu.memory_space<vmem_shared>>
      tpu.enqueue_dma source(%arg18 : memref<40x128xf32, #tpu.memory_space<vmem>>) target(%dma_start3A_119 : memref<40x128xf32, #tpu.memory_space<vmem_shared>>) target_semaphore(%run_scoped3A : memref<!tpu.dma_semaphore, #tpu.memory_space<semaphore_mem>>)
      %dma_wait3A_120 = arith.constant 0 : i32
      %dma_wait3A_121 = tpu.memref_slice %arg20[%add3A_41, %dma_wait3A_120] : memref<10000x128xf32, #tpu.memory_space<vmem_shared>> -> memref<40x128xf32, #tpu.memory_space<vmem_shared>>
      %dma_wait3A_122 = arith.constant 0 : i32
      %dma_wait3A_123 = tpu.memref_slice %arg20[%add3A_41, %dma_wait3A_122] : memref<10000x128xf32, #tpu.memory_space<vmem_shared>> -> memref<40x128xf32, #tpu.memory_space<vmem_shared>>
      tpu.wait_dma2 semaphore(%run_scoped3A : memref<!tpu.dma_semaphore, #tpu.memory_space<semaphore_mem>>) src(%arg18 : memref<40x128xf32, #tpu.memory_space<vmem>>) dst(%dma_wait3A_123 : memref<40x128xf32, #tpu.memory_space<vmem_shared>>)
      tpu.yield
    }) : () -> ()
    %mul3A_42 = arith.constant 624 : i32
    %mul3A_43 = arith.muli %arg1, %mul3A_42 : i32
    %add3A_44 = arith.constant 360 : i32
    %add3A_45 = arith.addi %mul3A_43, %add3A_44 : i32
    "tpu.region"() ({
      %run_scoped3A = tpu.sem_alloc : memref<!tpu.dma_semaphore, #tpu.memory_space<semaphore_mem>>
      %dma_start3A_116 = arith.constant 0 : i32
      %dma_start3A_117 = tpu.memref_slice %arg20[%add3A_45, %dma_start3A_116] : memref<10000x128xf32, #tpu.memory_space<vmem_shared>> -> memref<40x128xf32, #tpu.memory_space<vmem_shared>>
      %dma_start3A_118 = arith.constant 0 : i32
      %dma_start3A_119 = tpu.memref_slice %arg20[%add3A_45, %dma_start3A_118] : memref<10000x128xf32, #tpu.memory_space<vmem_shared>> -> memref<40x128xf32, #tpu.memory_space<vmem_shared>>
      tpu.enqueue_dma source(%arg18 : memref<40x128xf32, #tpu.memory_space<vmem>>) target(%dma_start3A_119 : memref<40x128xf32, #tpu.memory_space<vmem_shared>>) target_semaphore(%run_scoped3A : memref<!tpu.dma_semaphore, #tpu.memory_space<semaphore_mem>>)
      %dma_wait3A_120 = arith.constant 0 : i32
      %dma_wait3A_121 = tpu.memref_slice %arg20[%add3A_45, %dma_wait3A_120] : memref<10000x128xf32, #tpu.memory_space<vmem_shared>> -> memref<40x128xf32, #tpu.memory_space<vmem_shared>>
      %dma_wait3A_122 = arith.constant 0 : i32
      %dma_wait3A_123 = tpu.memref_slice %arg20[%add3A_45, %dma_wait3A_122] : memref<10000x128xf32, #tpu.memory_space<vmem_shared>> -> memref<40x128xf32, #tpu.memory_space<vmem_shared>>
      tpu.wait_dma2 semaphore(%run_scoped3A : memref<!tpu.dma_semaphore, #tpu.memory_space<semaphore_mem>>) src(%arg18 : memref<40x128xf32, #tpu.memory_space<vmem>>) dst(%dma_wait3A_123 : memref<40x128xf32, #tpu.memory_space<vmem_shared>>)
      tpu.yield
    }) : () -> ()
    %mul3A_46 = arith.constant 624 : i32
    %mul3A_47 = arith.muli %arg1, %mul3A_46 : i32
    %add3A_48 = arith.constant 400 : i32
    %add3A_49 = arith.addi %mul3A_47, %add3A_48 : i32
    "tpu.region"() ({
      %run_scoped3A = tpu.sem_alloc : memref<!tpu.dma_semaphore, #tpu.memory_space<semaphore_mem>>
      %dma_start3A_116 = arith.constant 0 : i32
      %dma_start3A_117 = tpu.memref_slice %arg20[%add3A_49, %dma_start3A_116] : memref<10000x128xf32, #tpu.memory_space<vmem_shared>> -> memref<40x128xf32, #tpu.memory_space<vmem_shared>>
      %dma_start3A_118 = arith.constant 0 : i32
      %dma_start3A_119 = tpu.memref_slice %arg20[%add3A_49, %dma_start3A_118] : memref<10000x128xf32, #tpu.memory_space<vmem_shared>> -> memref<40x128xf32, #tpu.memory_space<vmem_shared>>
      tpu.enqueue_dma source(%arg18 : memref<40x128xf32, #tpu.memory_space<vmem>>) target(%dma_start3A_119 : memref<40x128xf32, #tpu.memory_space<vmem_shared>>) target_semaphore(%run_scoped3A : memref<!tpu.dma_semaphore, #tpu.memory_space<semaphore_mem>>)
      %dma_wait3A_120 = arith.constant 0 : i32
      %dma_wait3A_121 = tpu.memref_slice %arg20[%add3A_49, %dma_wait3A_120] : memref<10000x128xf32, #tpu.memory_space<vmem_shared>> -> memref<40x128xf32, #tpu.memory_space<vmem_shared>>
      %dma_wait3A_122 = arith.constant 0 : i32
      %dma_wait3A_123 = tpu.memref_slice %arg20[%add3A_49, %dma_wait3A_122] : memref<10000x128xf32, #tpu.memory_space<vmem_shared>> -> memref<40x128xf32, #tpu.memory_space<vmem_shared>>
      tpu.wait_dma2 semaphore(%run_scoped3A : memref<!tpu.dma_semaphore, #tpu.memory_space<semaphore_mem>>) src(%arg18 : memref<40x128xf32, #tpu.memory_space<vmem>>) dst(%dma_wait3A_123 : memref<40x128xf32, #tpu.memory_space<vmem_shared>>)
      tpu.yield
    }) : () -> ()
    %mul3A_50 = arith.constant 624 : i32
    %mul3A_51 = arith.muli %arg1, %mul3A_50 : i32
    %add3A_52 = arith.constant 440 : i32
    %add3A_53 = arith.addi %mul3A_51, %add3A_52 : i32
    "tpu.region"() ({
      %run_scoped3A = tpu.sem_alloc : memref<!tpu.dma_semaphore, #tpu.memory_space<semaphore_mem>>
      %dma_start3A_116 = arith.constant 0 : i32
      %dma_start3A_117 = tpu.memref_slice %arg20[%add3A_53, %dma_start3A_116] : memref<10000x128xf32, #tpu.memory_space<vmem_shared>> -> memref<40x128xf32, #tpu.memory_space<vmem_shared>>
      %dma_start3A_118 = arith.constant 0 : i32
      %dma_start3A_119 = tpu.memref_slice %arg20[%add3A_53, %dma_start3A_118] : memref<10000x128xf32, #tpu.memory_space<vmem_shared>> -> memref<40x128xf32, #tpu.memory_space<vmem_shared>>
      tpu.enqueue_dma source(%arg18 : memref<40x128xf32, #tpu.memory_space<vmem>>) target(%dma_start3A_119 : memref<40x128xf32, #tpu.memory_space<vmem_shared>>) target_semaphore(%run_scoped3A : memref<!tpu.dma_semaphore, #tpu.memory_space<semaphore_mem>>)
      %dma_wait3A_120 = arith.constant 0 : i32
      %dma_wait3A_121 = tpu.memref_slice %arg20[%add3A_53, %dma_wait3A_120] : memref<10000x128xf32, #tpu.memory_space<vmem_shared>> -> memref<40x128xf32, #tpu.memory_space<vmem_shared>>
      %dma_wait3A_122 = arith.constant 0 : i32
      %dma_wait3A_123 = tpu.memref_slice %arg20[%add3A_53, %dma_wait3A_122] : memref<10000x128xf32, #tpu.memory_space<vmem_shared>> -> memref<40x128xf32, #tpu.memory_space<vmem_shared>>
      tpu.wait_dma2 semaphore(%run_scoped3A : memref<!tpu.dma_semaphore, #tpu.memory_space<semaphore_mem>>) src(%arg18 : memref<40x128xf32, #tpu.memory_space<vmem>>) dst(%dma_wait3A_123 : memref<40x128xf32, #tpu.memory_space<vmem_shared>>)
      tpu.yield
    }) : () -> ()
    %mul3A_54 = arith.constant 624 : i32
    %mul3A_55 = arith.muli %arg1, %mul3A_54 : i32
    %add3A_56 = arith.constant 480 : i32
    %add3A_57 = arith.addi %mul3A_55, %add3A_56 : i32
    "tpu.region"() ({
      %run_scoped3A = tpu.sem_alloc : memref<!tpu.dma_semaphore, #tpu.memory_space<semaphore_mem>>
      %dma_start3A_116 = arith.constant 0 : i32
      %dma_start3A_117 = tpu.memref_slice %arg20[%add3A_57, %dma_start3A_116] : memref<10000x128xf32, #tpu.memory_space<vmem_shared>> -> memref<40x128xf32, #tpu.memory_space<vmem_shared>>
      %dma_start3A_118 = arith.constant 0 : i32
      %dma_start3A_119 = tpu.memref_slice %arg20[%add3A_57, %dma_start3A_118] : memref<10000x128xf32, #tpu.memory_space<vmem_shared>> -> memref<40x128xf32, #tpu.memory_space<vmem_shared>>
      tpu.enqueue_dma source(%arg18 : memref<40x128xf32, #tpu.memory_space<vmem>>) target(%dma_start3A_119 : memref<40x128xf32, #tpu.memory_space<vmem_shared>>) target_semaphore(%run_scoped3A : memref<!tpu.dma_semaphore, #tpu.memory_space<semaphore_mem>>)
      %dma_wait3A_120 = arith.constant 0 : i32
      %dma_wait3A_121 = tpu.memref_slice %arg20[%add3A_57, %dma_wait3A_120] : memref<10000x128xf32, #tpu.memory_space<vmem_shared>> -> memref<40x128xf32, #tpu.memory_space<vmem_shared>>
      %dma_wait3A_122 = arith.constant 0 : i32
      %dma_wait3A_123 = tpu.memref_slice %arg20[%add3A_57, %dma_wait3A_122] : memref<10000x128xf32, #tpu.memory_space<vmem_shared>> -> memref<40x128xf32, #tpu.memory_space<vmem_shared>>
      tpu.wait_dma2 semaphore(%run_scoped3A : memref<!tpu.dma_semaphore, #tpu.memory_space<semaphore_mem>>) src(%arg18 : memref<40x128xf32, #tpu.memory_space<vmem>>) dst(%dma_wait3A_123 : memref<40x128xf32, #tpu.memory_space<vmem_shared>>)
      tpu.yield
    }) : () -> ()
    %mul3A_58 = arith.constant 624 : i32
    %mul3A_59 = arith.muli %arg1, %mul3A_58 : i32
    %add3A_60 = arith.constant 520 : i32
    %add3A_61 = arith.addi %mul3A_59, %add3A_60 : i32
    "tpu.region"() ({
      %run_scoped3A = tpu.sem_alloc : memref<!tpu.dma_semaphore, #tpu.memory_space<semaphore_mem>>
      %dma_start3A_116 = arith.constant 0 : i32
      %dma_start3A_117 = tpu.memref_slice %arg20[%add3A_61, %dma_start3A_116] : memref<10000x128xf32, #tpu.memory_space<vmem_shared>> -> memref<40x128xf32, #tpu.memory_space<vmem_shared>>
      %dma_start3A_118 = arith.constant 0 : i32
      %dma_start3A_119 = tpu.memref_slice %arg20[%add3A_61, %dma_start3A_118] : memref<10000x128xf32, #tpu.memory_space<vmem_shared>> -> memref<40x128xf32, #tpu.memory_space<vmem_shared>>
      tpu.enqueue_dma source(%arg18 : memref<40x128xf32, #tpu.memory_space<vmem>>) target(%dma_start3A_119 : memref<40x128xf32, #tpu.memory_space<vmem_shared>>) target_semaphore(%run_scoped3A : memref<!tpu.dma_semaphore, #tpu.memory_space<semaphore_mem>>)
      %dma_wait3A_120 = arith.constant 0 : i32
      %dma_wait3A_121 = tpu.memref_slice %arg20[%add3A_61, %dma_wait3A_120] : memref<10000x128xf32, #tpu.memory_space<vmem_shared>> -> memref<40x128xf32, #tpu.memory_space<vmem_shared>>
      %dma_wait3A_122 = arith.constant 0 : i32
      %dma_wait3A_123 = tpu.memref_slice %arg20[%add3A_61, %dma_wait3A_122] : memref<10000x128xf32, #tpu.memory_space<vmem_shared>> -> memref<40x128xf32, #tpu.memory_space<vmem_shared>>
      tpu.wait_dma2 semaphore(%run_scoped3A : memref<!tpu.dma_semaphore, #tpu.memory_space<semaphore_mem>>) src(%arg18 : memref<40x128xf32, #tpu.memory_space<vmem>>) dst(%dma_wait3A_123 : memref<40x128xf32, #tpu.memory_space<vmem_shared>>)
      tpu.yield
    }) : () -> ()
    %mul3A_62 = arith.constant 624 : i32
    %mul3A_63 = arith.muli %arg1, %mul3A_62 : i32
    %add3A_64 = arith.constant 560 : i32
    %add3A_65 = arith.addi %mul3A_63, %add3A_64 : i32
    "tpu.region"() ({
      %run_scoped3A = tpu.sem_alloc : memref<!tpu.dma_semaphore, #tpu.memory_space<semaphore_mem>>
      %dma_start3A_116 = arith.constant 0 : i32
      %dma_start3A_117 = tpu.memref_slice %arg20[%add3A_65, %dma_start3A_116] : memref<10000x128xf32, #tpu.memory_space<vmem_shared>> -> memref<40x128xf32, #tpu.memory_space<vmem_shared>>
      %dma_start3A_118 = arith.constant 0 : i32
      %dma_start3A_119 = tpu.memref_slice %arg20[%add3A_65, %dma_start3A_118] : memref<10000x128xf32, #tpu.memory_space<vmem_shared>> -> memref<40x128xf32, #tpu.memory_space<vmem_shared>>
      tpu.enqueue_dma source(%arg18 : memref<40x128xf32, #tpu.memory_space<vmem>>) target(%dma_start3A_119 : memref<40x128xf32, #tpu.memory_space<vmem_shared>>) target_semaphore(%run_scoped3A : memref<!tpu.dma_semaphore, #tpu.memory_space<semaphore_mem>>)
      %dma_wait3A_120 = arith.constant 0 : i32
      %dma_wait3A_121 = tpu.memref_slice %arg20[%add3A_65, %dma_wait3A_120] : memref<10000x128xf32, #tpu.memory_space<vmem_shared>> -> memref<40x128xf32, #tpu.memory_space<vmem_shared>>
      %dma_wait3A_122 = arith.constant 0 : i32
      %dma_wait3A_123 = tpu.memref_slice %arg20[%add3A_65, %dma_wait3A_122] : memref<10000x128xf32, #tpu.memory_space<vmem_shared>> -> memref<40x128xf32, #tpu.memory_space<vmem_shared>>
      tpu.wait_dma2 semaphore(%run_scoped3A : memref<!tpu.dma_semaphore, #tpu.memory_space<semaphore_mem>>) src(%arg18 : memref<40x128xf32, #tpu.memory_space<vmem>>) dst(%dma_wait3A_123 : memref<40x128xf32, #tpu.memory_space<vmem_shared>>)
      tpu.yield
    }) : () -> ()
    %mul3A_66 = arith.constant 624 : i32
    %mul3A_67 = arith.muli %arg1, %mul3A_66 : i32
    %add3A_68 = arith.constant 600 : i32
    %add3A_69 = arith.addi %mul3A_67, %add3A_68 : i32
    "tpu.region"() ({
      %run_scoped3A = tpu.sem_alloc : memref<!tpu.dma_semaphore, #tpu.memory_space<semaphore_mem>>
      %dma_start3A_116 = arith.constant 0 : i32
      %dma_start3A_117 = arith.constant 0 : i32
      %dma_start3A_118 = tpu.memref_slice %arg18[%dma_start3A_116, %dma_start3A_117] : memref<40x128xf32, #tpu.memory_space<vmem>> -> memref<24x128xf32, #tpu.memory_space<vmem>>
      %dma_start3A_119 = arith.constant 0 : i32
      %dma_start3A_120 = tpu.memref_slice %arg20[%add3A_69, %dma_start3A_119] : memref<10000x128xf32, #tpu.memory_space<vmem_shared>> -> memref<24x128xf32, #tpu.memory_space<vmem_shared>>
      %dma_start3A_121 = arith.constant 0 : i32
      %dma_start3A_122 = tpu.memref_slice %arg20[%add3A_69, %dma_start3A_121] : memref<10000x128xf32, #tpu.memory_space<vmem_shared>> -> memref<24x128xf32, #tpu.memory_space<vmem_shared>>
      %dma_start3A_123 = arith.constant 0 : i32
      %dma_start3A_124 = arith.constant 0 : i32
      %dma_start3A_125 = tpu.memref_slice %arg18[%dma_start3A_123, %dma_start3A_124] : memref<40x128xf32, #tpu.memory_space<vmem>> -> memref<24x128xf32, #tpu.memory_space<vmem>>
      tpu.enqueue_dma source(%dma_start3A_125 : memref<24x128xf32, #tpu.memory_space<vmem>>) target(%dma_start3A_122 : memref<24x128xf32, #tpu.memory_space<vmem_shared>>) target_semaphore(%run_scoped3A : memref<!tpu.dma_semaphore, #tpu.memory_space<semaphore_mem>>)
      %dma_wait3A_126 = arith.constant 0 : i32
      %dma_wait3A_127 = arith.constant 0 : i32
      %dma_wait3A_128 = tpu.memref_slice %arg18[%dma_wait3A_126, %dma_wait3A_127] : memref<40x128xf32, #tpu.memory_space<vmem>> -> memref<24x128xf32, #tpu.memory_space<vmem>>
      %dma_wait3A_129 = arith.constant 0 : i32
      %dma_wait3A_130 = tpu.memref_slice %arg20[%add3A_69, %dma_wait3A_129] : memref<10000x128xf32, #tpu.memory_space<vmem_shared>> -> memref<24x128xf32, #tpu.memory_space<vmem_shared>>
      %dma_wait3A_131 = arith.constant 0 : i32
      %dma_wait3A_132 = tpu.memref_slice %arg20[%add3A_69, %dma_wait3A_131] : memref<10000x128xf32, #tpu.memory_space<vmem_shared>> -> memref<24x128xf32, #tpu.memory_space<vmem_shared>>
      %dma_wait3A_133 = arith.constant 0 : i32
      %dma_wait3A_134 = arith.constant 0 : i32
      %dma_wait3A_135 = tpu.memref_slice %arg18[%dma_wait3A_133, %dma_wait3A_134] : memref<40x128xf32, #tpu.memory_space<vmem>> -> memref<24x128xf32, #tpu.memory_space<vmem>>
      tpu.wait_dma2 semaphore(%run_scoped3A : memref<!tpu.dma_semaphore, #tpu.memory_space<semaphore_mem>>) src(%dma_wait3A_135 : memref<24x128xf32, #tpu.memory_space<vmem>>) dst(%dma_wait3A_132 : memref<24x128xf32, #tpu.memory_space<vmem_shared>>)
      tpu.yield
    }) : () -> ()
    %eq3A = arith.constant 0 : i32
    %eq3A_70 = arith.cmpi eq, %arg1, %eq3A : i32
    %convert_element_type3A = arith.extui %eq3A_70 : i1 to i32
    %cond3A = arith.constant 0 : i32
    %cond3A_71 = arith.cmpi ne, %convert_element_type3A, %cond3A : i32
    scf.if %cond3A_71 {
      "tpu.region"() ({
        %run_scoped3A = tpu.sem_alloc : memref<!tpu.dma_semaphore, #tpu.memory_space<semaphore_mem>>
        %dma_start3A_116 = arith.constant 0 : i32
        %dma_start3A_117 = arith.constant 0 : i32
        %dma_start3A_118 = tpu.memref_slice %arg18[%dma_start3A_116, %dma_start3A_117] : memref<40x128xf32, #tpu.memory_space<vmem>> -> memref<16x128xf32, #tpu.memory_space<vmem>>
        %dma_start3A_119 = arith.constant 9984 : i32
        %dma_start3A_120 = arith.constant 0 : i32
        %dma_start3A_121 = tpu.memref_slice %arg20[%dma_start3A_119, %dma_start3A_120] : memref<10000x128xf32, #tpu.memory_space<vmem_shared>> -> memref<16x128xf32, #tpu.memory_space<vmem_shared>>
        %dma_start3A_122 = arith.constant 9984 : i32
        %dma_start3A_123 = arith.constant 0 : i32
        %dma_start3A_124 = tpu.memref_slice %arg20[%dma_start3A_122, %dma_start3A_123] : memref<10000x128xf32, #tpu.memory_space<vmem_shared>> -> memref<16x128xf32, #tpu.memory_space<vmem_shared>>
        %dma_start3A_125 = arith.constant 0 : i32
        %dma_start3A_126 = arith.constant 0 : i32
        %dma_start3A_127 = tpu.memref_slice %arg18[%dma_start3A_125, %dma_start3A_126] : memref<40x128xf32, #tpu.memory_space<vmem>> -> memref<16x128xf32, #tpu.memory_space<vmem>>
        tpu.enqueue_dma source(%dma_start3A_127 : memref<16x128xf32, #tpu.memory_space<vmem>>) target(%dma_start3A_124 : memref<16x128xf32, #tpu.memory_space<vmem_shared>>) target_semaphore(%run_scoped3A : memref<!tpu.dma_semaphore, #tpu.memory_space<semaphore_mem>>)
        %dma_wait3A_128 = arith.constant 0 : i32
        %dma_wait3A_129 = arith.constant 0 : i32
        %dma_wait3A_130 = tpu.memref_slice %arg18[%dma_wait3A_128, %dma_wait3A_129] : memref<40x128xf32, #tpu.memory_space<vmem>> -> memref<16x128xf32, #tpu.memory_space<vmem>>
        %dma_wait3A_131 = arith.constant 9984 : i32
        %dma_wait3A_132 = arith.constant 0 : i32
        %dma_wait3A_133 = tpu.memref_slice %arg20[%dma_wait3A_131, %dma_wait3A_132] : memref<10000x128xf32, #tpu.memory_space<vmem_shared>> -> memref<16x128xf32, #tpu.memory_space<vmem_shared>>
        %dma_wait3A_134 = arith.constant 9984 : i32
        %dma_wait3A_135 = arith.constant 0 : i32
        %dma_wait3A_136 = tpu.memref_slice %arg20[%dma_wait3A_134, %dma_wait3A_135] : memref<10000x128xf32, #tpu.memory_space<vmem_shared>> -> memref<16x128xf32, #tpu.memory_space<vmem_shared>>
        %dma_wait3A_137 = arith.constant 0 : i32
        %dma_wait3A_138 = arith.constant 0 : i32
        %dma_wait3A_139 = tpu.memref_slice %arg18[%dma_wait3A_137, %dma_wait3A_138] : memref<40x128xf32, #tpu.memory_space<vmem>> -> memref<16x128xf32, #tpu.memory_space<vmem>>
        tpu.wait_dma2 semaphore(%run_scoped3A : memref<!tpu.dma_semaphore, #tpu.memory_space<semaphore_mem>>) src(%dma_wait3A_139 : memref<16x128xf32, #tpu.memory_space<vmem>>) dst(%dma_wait3A_136 : memref<16x128xf32, #tpu.memory_space<vmem_shared>>)
        tpu.yield
      }) : () -> ()
    } else {
    }
    %barrier3A = arith.constant 0 : index
    tpu.barrier barrier_id(%barrier3A)
    %mul3A_72 = arith.constant 10000 : i32
    %mul3A_73 = arith.muli %add3A, %mul3A_72 : i32
    "tpu.region"() ({
      %run_scoped3A = tpu.sem_alloc : memref<!tpu.dma_semaphore, #tpu.memory_space<semaphore_mem>>
      %dma_start3A_116 = tpu.memref_slice %arg2[%mul3A_73] : memref<320000xi32, #tpu.memory_space<hbm>> -> memref<2000xi32, #tpu.memory_space<hbm>>
      %dma_start3A_117 = tpu.memref_slice %arg2[%mul3A_73] : memref<320000xi32, #tpu.memory_space<hbm>> -> memref<2000xi32, #tpu.memory_space<hbm>>
      tpu.enqueue_dma source(%dma_start3A_117 : memref<2000xi32, #tpu.memory_space<hbm>>) target(%arg10 : memref<2000xi32, #tpu.memory_space<vmem>>) target_semaphore(%run_scoped3A : memref<!tpu.dma_semaphore, #tpu.memory_space<semaphore_mem>>)
      %dma_wait3A_118 = tpu.memref_slice %arg2[%mul3A_73] : memref<320000xi32, #tpu.memory_space<hbm>> -> memref<2000xi32, #tpu.memory_space<hbm>>
      %dma_wait3A_119 = tpu.memref_slice %arg2[%mul3A_73] : memref<320000xi32, #tpu.memory_space<hbm>> -> memref<2000xi32, #tpu.memory_space<hbm>>
      tpu.wait_dma2 semaphore(%run_scoped3A : memref<!tpu.dma_semaphore, #tpu.memory_space<semaphore_mem>>) src(%dma_wait3A_119 : memref<2000xi32, #tpu.memory_space<hbm>>) dst(%arg10 : memref<2000xi32, #tpu.memory_space<vmem>>)
      tpu.yield
    }) : () -> ()
    "tpu.region"() ({
      %run_scoped3A = tpu.sem_alloc : memref<!tpu.dma_semaphore, #tpu.memory_space<semaphore_mem>>
      %dma_start3A_116 = tpu.memref_slice %arg3[%mul3A_73] : memref<320000xi32, #tpu.memory_space<hbm>> -> memref<2000xi32, #tpu.memory_space<hbm>>
      %dma_start3A_117 = tpu.memref_slice %arg3[%mul3A_73] : memref<320000xi32, #tpu.memory_space<hbm>> -> memref<2000xi32, #tpu.memory_space<hbm>>
      tpu.enqueue_dma source(%dma_start3A_117 : memref<2000xi32, #tpu.memory_space<hbm>>) target(%arg11 : memref<2000xi32, #tpu.memory_space<vmem>>) target_semaphore(%run_scoped3A : memref<!tpu.dma_semaphore, #tpu.memory_space<semaphore_mem>>)
      %dma_wait3A_118 = tpu.memref_slice %arg3[%mul3A_73] : memref<320000xi32, #tpu.memory_space<hbm>> -> memref<2000xi32, #tpu.memory_space<hbm>>
      %dma_wait3A_119 = tpu.memref_slice %arg3[%mul3A_73] : memref<320000xi32, #tpu.memory_space<hbm>> -> memref<2000xi32, #tpu.memory_space<hbm>>
      tpu.wait_dma2 semaphore(%run_scoped3A : memref<!tpu.dma_semaphore, #tpu.memory_space<semaphore_mem>>) src(%dma_wait3A_119 : memref<2000xi32, #tpu.memory_space<hbm>>) dst(%arg11 : memref<2000xi32, #tpu.memory_space<vmem>>)
      tpu.yield
    }) : () -> ()
    %dma_start3A = arith.constant 0 : i32
    %dma_start3A_74 = tpu.memref_slice %arg11[%dma_start3A] : memref<2000xi32, #tpu.memory_space<vmem>> -> memref<40xi32, #tpu.memory_space<vmem>>
    %dma_start3A_75 = arith.constant 0 : i32
    %dma_start3A_76 = arith.constant 0 : i32
    %dma_start3A_77 = tpu.memref_slice %arg4[%dma_start3A_75, %dma_start3A_76] : memref<10000x128xf32, #tpu.memory_space<hbm>> -> memref<10000x128xf32, #tpu.memory_space<hbm>>
    tpu.enqueue_indirect_dma source(%dma_start3A_77 : memref<10000x128xf32, #tpu.memory_space<hbm>>) target(%arg12 : memref<40x128xf32, #tpu.memory_space<vmem>>) offsets(%dma_start3A_74 : memref<40xi32, #tpu.memory_space<vmem>>) semaphore(%arg21 : memref<!tpu.dma_semaphore, #tpu.memory_space<semaphore_mem>>)
    %dma_start3A_78 = arith.constant 0 : i32
    %dma_start3A_79 = tpu.memref_slice %arg10[%dma_start3A_78] : memref<2000xi32, #tpu.memory_space<vmem>> -> memref<40xi32, #tpu.memory_space<vmem>>
    %dma_start3A_80 = arith.constant 0 : i32
    %dma_start3A_81 = arith.constant 0 : i32
    %dma_start3A_82 = tpu.memref_slice %arg5[%dma_start3A_80, %dma_start3A_81] : memref<10000x128xf32, #tpu.memory_space<hbm>> -> memref<10000x128xf32, #tpu.memory_space<hbm>>
    tpu.enqueue_indirect_dma source(%dma_start3A_82 : memref<10000x128xf32, #tpu.memory_space<hbm>>) target(%arg14 : memref<40x128xf32, #tpu.memory_space<vmem>>) offsets(%dma_start3A_79 : memref<40xi32, #tpu.memory_space<vmem>>) semaphore(%arg21 : memref<!tpu.dma_semaphore, #tpu.memory_space<semaphore_mem>>)
    %add3A_83 = arith.constant 0 : i32
    %add3A_84 = arith.addi %mul3A_73, %add3A_83 : i32
    %dma_start3A_85 = arith.constant 0 : i32
    %dma_start3A_86 = tpu.memref_slice %arg6[%add3A_84, %dma_start3A_85] : memref<320000x128xf32, #tpu.memory_space<hbm>> -> memref<40x128xf32, #tpu.memory_space<hbm>>
    %dma_start3A_87 = arith.constant 0 : i32
    %dma_start3A_88 = tpu.memref_slice %arg6[%add3A_84, %dma_start3A_87] : memref<320000x128xf32, #tpu.memory_space<hbm>> -> memref<40x128xf32, #tpu.memory_space<hbm>>
    tpu.enqueue_dma source(%dma_start3A_88 : memref<40x128xf32, #tpu.memory_space<hbm>>) target(%arg16 : memref<40x128xf32, #tpu.memory_space<vmem>>) target_semaphore(%arg21 : memref<!tpu.dma_semaphore, #tpu.memory_space<semaphore_mem>>)
    %scan3A_89 = arith.constant 0 : i32
    %scan3A_90 = arith.constant 0 : i32
    %scan3A_91 = arith.constant 125 : i32
    %scan3A_92 = arith.addi %scan3A_90, %scan3A_91 : i32
    %scan3A_93 = arith.constant 1 : i32
    scf.for %scan3A_116 = %scan3A_90 to %scan3A_92 step %scan3A_93  : i32 {
      %mul3A_117 = arith.constant 2 : i32
      %mul3A_118 = arith.muli %mul3A_117, %scan3A_116 : i32
      %dma_wait3A_119 = arith.constant 0 : i32
      %dma_wait3A_120 = arith.constant 0 : i32
      %dma_wait3A_121 = tpu.memref_slice %arg4[%dma_wait3A_119, %dma_wait3A_120] : memref<10000x128xf32, #tpu.memory_space<hbm>> -> memref<40x128xf32, #tpu.memory_space<hbm>>
      %dma_wait3A_122 = arith.constant 0 : i32
      %dma_wait3A_123 = arith.constant 0 : i32
      %dma_wait3A_124 = tpu.memref_slice %arg4[%dma_wait3A_122, %dma_wait3A_123] : memref<10000x128xf32, #tpu.memory_space<hbm>> -> memref<40x128xf32, #tpu.memory_space<hbm>>
      tpu.wait_dma2 semaphore(%arg21 : memref<!tpu.dma_semaphore, #tpu.memory_space<semaphore_mem>>) src(%dma_wait3A_124 : memref<40x128xf32, #tpu.memory_space<hbm>>) dst(%arg12 : memref<40x128xf32, #tpu.memory_space<vmem>>)
      %dma_wait3A_125 = arith.constant 0 : i32
      %dma_wait3A_126 = arith.constant 0 : i32
      %dma_wait3A_127 = tpu.memref_slice %arg5[%dma_wait3A_125, %dma_wait3A_126] : memref<10000x128xf32, #tpu.memory_space<hbm>> -> memref<40x128xf32, #tpu.memory_space<hbm>>
      %dma_wait3A_128 = arith.constant 0 : i32
      %dma_wait3A_129 = arith.constant 0 : i32
      %dma_wait3A_130 = tpu.memref_slice %arg5[%dma_wait3A_128, %dma_wait3A_129] : memref<10000x128xf32, #tpu.memory_space<hbm>> -> memref<40x128xf32, #tpu.memory_space<hbm>>
      tpu.wait_dma2 semaphore(%arg21 : memref<!tpu.dma_semaphore, #tpu.memory_space<semaphore_mem>>) src(%dma_wait3A_130 : memref<40x128xf32, #tpu.memory_space<hbm>>) dst(%arg14 : memref<40x128xf32, #tpu.memory_space<vmem>>)
      %dma_wait3A_131 = arith.constant 0 : i32
      %dma_wait3A_132 = arith.constant 0 : i32
      %dma_wait3A_133 = tpu.memref_slice %arg6[%dma_wait3A_131, %dma_wait3A_132] : memref<320000x128xf32, #tpu.memory_space<hbm>> -> memref<40x128xf32, #tpu.memory_space<hbm>>
      %dma_wait3A_134 = arith.constant 0 : i32
      %dma_wait3A_135 = arith.constant 0 : i32
      %dma_wait3A_136 = tpu.memref_slice %arg6[%dma_wait3A_134, %dma_wait3A_135] : memref<320000x128xf32, #tpu.memory_space<hbm>> -> memref<40x128xf32, #tpu.memory_space<hbm>>
      tpu.wait_dma2 semaphore(%arg21 : memref<!tpu.dma_semaphore, #tpu.memory_space<semaphore_mem>>) src(%dma_wait3A_136 : memref<40x128xf32, #tpu.memory_space<hbm>>) dst(%arg16 : memref<40x128xf32, #tpu.memory_space<vmem>>)
      %ge3A = arith.constant 2 : i32
      %ge3A_137 = arith.cmpi sge, %mul3A_118, %ge3A : i32
      %convert_element_type3A_138 = arith.extui %ge3A_137 : i1 to i32
      %cond3A_139 = arith.constant 0 : i32
      %cond3A_140 = arith.cmpi ne, %convert_element_type3A_138, %cond3A_139 : i32
      scf.if %cond3A_140 {
        %dma_wait3A_281 = arith.constant 0 : i32
        %dma_wait3A_282 = arith.constant 0 : i32
        %dma_wait3A_283 = tpu.memref_slice %arg20[%dma_wait3A_281, %dma_wait3A_282] : memref<10000x128xf32, #tpu.memory_space<vmem_shared>> -> memref<40x128xf32, #tpu.memory_space<vmem_shared>>
        %dma_wait3A_284 = arith.constant 0 : i32
        %dma_wait3A_285 = arith.constant 0 : i32
        %dma_wait3A_286 = tpu.memref_slice %arg20[%dma_wait3A_284, %dma_wait3A_285] : memref<10000x128xf32, #tpu.memory_space<vmem_shared>> -> memref<40x128xf32, #tpu.memory_space<vmem_shared>>
        tpu.wait_dma2 semaphore(%arg23 : memref<!tpu.dma_semaphore, #tpu.memory_space<semaphore_mem>>) src(%arg18 : memref<40x128xf32, #tpu.memory_space<vmem>>) dst(%dma_wait3A_286 : memref<40x128xf32, #tpu.memory_space<vmem_shared>>)
      } else {
      }
      %jit3A = arith.constant 50 : i32
      %eq3A_141 = arith.constant 0 : i32
      %eq3A_142 = arith.cmpi eq, %jit3A, %eq3A_141 : i32
      %jit3A_143 = arith.constant 1 : i32
      %select_n3A = arith.select %eq3A_142, %jit3A_143, %jit3A : i32
      %rem3A = arith.remsi %mul3A_118, %select_n3A : i32
      %ne3A = arith.constant 0 : i32
      %ne3A_144 = arith.cmpi ne, %rem3A, %ne3A : i32
      %lt3A = arith.constant 0 : i32
      %lt3A_145 = arith.cmpi slt, %rem3A, %lt3A : i32
      %lt3A_146 = arith.constant 0 : i32
      %lt3A_147 = arith.cmpi slt, %select_n3A, %lt3A_146 : i32
      %ne3A_148 = arith.xori %lt3A_145, %lt3A_147 : i1
      %and3A = arith.andi %ne3A_148, %ne3A_144 : i1
      %add3A_149 = arith.addi %rem3A, %select_n3A : i32
      %select_n3A_150 = arith.select %and3A, %add3A_149, %rem3A : i32
      %mul3A_151 = arith.constant 40 : i32
      %mul3A_152 = arith.muli %select_n3A_150, %mul3A_151 : i32
      %get3A = arith.index_cast %mul3A_152 : i32 to index
      %get3A_153 = tpu.vector_load %arg10[%get3A] {strides = array<i32>} : memref<2000xi32, #tpu.memory_space<vmem>>, vector<16xi32>,
      %get3A_154 = vector.shape_cast %get3A_153 : vector<16xi32> to vector<16xi32>
      %swap3A = arith.constant 0 : index
      %swap3A_155 = tpu.vector_load %arg8[%swap3A] {strides = array<i32>} : memref<40xi32, #tpu.memory_space<vmem>>, vector<16xi32>,
      %swap3A_156 = vector.shape_cast %swap3A_155 : vector<16xi32> to vector<16xi32>
      %swap3A_157 = vector.shape_cast %get3A_154 : vector<16xi32> to vector<16xi32>
      tpu.vector_store %arg8[%swap3A], %swap3A_157 {strides = array<i32>} : memref<40xi32, #tpu.memory_space<vmem>>, vector<16xi32>,
      %add3A_158 = arith.constant 16 : i32
      %add3A_159 = arith.addi %mul3A_152, %add3A_158 : i32
      %get3A_160 = arith.index_cast %add3A_159 : i32 to index
      %get3A_161 = tpu.vector_load %arg10[%get3A_160] {strides = array<i32>} : memref<2000xi32, #tpu.memory_space<vmem>>, vector<16xi32>,
      %get3A_162 = vector.shape_cast %get3A_161 : vector<16xi32> to vector<16xi32>
      %swap3A_163 = arith.constant 16 : index
      %swap3A_164 = tpu.vector_load %arg8[%swap3A_163] {strides = array<i32>} : memref<40xi32, #tpu.memory_space<vmem>>, vector<16xi32>,
      %swap3A_165 = vector.shape_cast %swap3A_164 : vector<16xi32> to vector<16xi32>
      %swap3A_166 = vector.shape_cast %get3A_162 : vector<16xi32> to vector<16xi32>
      tpu.vector_store %arg8[%swap3A_163], %swap3A_166 {strides = array<i32>} : memref<40xi32, #tpu.memory_space<vmem>>, vector<16xi32>,
      %add3A_167 = arith.constant 40 : i32
      %add3A_168 = arith.addi %mul3A_152, %add3A_167 : i32
      %sub3A = arith.constant 16 : i32
      %sub3A_169 = arith.subi %add3A_168, %sub3A : i32
      %get3A_170 = arith.index_cast %sub3A_169 : i32 to index
      %get3A_171 = tpu.vector_load %arg10[%get3A_170] {strides = array<i32>} : memref<2000xi32, #tpu.memory_space<vmem>>, vector<16xi32>,
      %get3A_172 = vector.shape_cast %get3A_171 : vector<16xi32> to vector<16xi32>
      %swap3A_173 = arith.constant 24 : index
      %swap3A_174 = tpu.vector_load %arg8[%swap3A_173] {strides = array<i32>} : memref<40xi32, #tpu.memory_space<vmem>>, vector<16xi32>,
      %swap3A_175 = vector.shape_cast %swap3A_174 : vector<16xi32> to vector<16xi32>
      %swap3A_176 = vector.shape_cast %get3A_172 : vector<16xi32> to vector<16xi32>
      tpu.vector_store %arg8[%swap3A_173], %swap3A_176 {strides = array<i32>} : memref<40xi32, #tpu.memory_space<vmem>>, vector<16xi32>,
      %add3A_177 = arith.constant 1 : i32
      %add3A_178 = arith.addi %mul3A_118, %add3A_177 : i32
      %lt3A_179 = arith.constant 250 : i32
      %lt3A_180 = arith.cmpi slt, %add3A_178, %lt3A_179 : i32
      %convert_element_type3A_181 = arith.extui %lt3A_180 : i1 to i32
      %cond3A_182 = arith.constant 0 : i32
      %cond3A_183 = arith.cmpi ne, %convert_element_type3A_181, %cond3A_182 : i32
      scf.if %cond3A_183 {
        %add3A_281 = arith.constant 1 : i32
        %add3A_282 = arith.addi %mul3A_118, %add3A_281 : i32
        %jit3A_283 = arith.constant 50 : i32
        %eq3A_284 = arith.constant 0 : i32
        %eq3A_285 = arith.cmpi eq, %jit3A_283, %eq3A_284 : i32
        %jit3A_286 = arith.constant 1 : i32
        %select_n3A_287 = arith.select %eq3A_285, %jit3A_286, %jit3A_283 : i32
        %rem3A_288 = arith.remsi %add3A_282, %select_n3A_287 : i32
        %ne3A_289 = arith.constant 0 : i32
        %ne3A_290 = arith.cmpi ne, %rem3A_288, %ne3A_289 : i32
        %lt3A_291 = arith.constant 0 : i32
        %lt3A_292 = arith.cmpi slt, %rem3A_288, %lt3A_291 : i32
        %lt3A_293 = arith.constant 0 : i32
        %lt3A_294 = arith.cmpi slt, %select_n3A_287, %lt3A_293 : i32
        %ne3A_295 = arith.xori %lt3A_292, %lt3A_294 : i1
        %and3A_296 = arith.andi %ne3A_295, %ne3A_290 : i1
        %add3A_297 = arith.addi %rem3A_288, %select_n3A_287 : i32
        %select_n3A_298 = arith.select %and3A_296, %add3A_297, %rem3A_288 : i32
        %eq3A_299 = arith.constant 0 : i32
        %eq3A_300 = arith.cmpi eq, %select_n3A_298, %eq3A_299 : i32
        %convert_element_type3A_301 = arith.extui %eq3A_300 : i1 to i32
        %cond3A_302 = arith.constant 0 : i32
        %cond3A_303 = arith.cmpi ne, %convert_element_type3A_301, %cond3A_302 : i32
        scf.if %cond3A_303 {
          %add3A_341 = arith.constant 1 : i32
          %add3A_342 = arith.addi %mul3A_118, %add3A_341 : i32
          %mul3A_343 = arith.constant 40 : i32
          %mul3A_344 = arith.muli %add3A_342, %mul3A_343 : i32
          %add3A_345 = arith.addi %mul3A_73, %mul3A_344 : i32
          "tpu.region"() ({
            %run_scoped3A = tpu.sem_alloc : memref<!tpu.dma_semaphore, #tpu.memory_space<semaphore_mem>>
            %dma_start3A_346 = tpu.memref_slice %arg2[%add3A_345] : memref<320000xi32, #tpu.memory_space<hbm>> -> memref<2000xi32, #tpu.memory_space<hbm>>
            %dma_start3A_347 = tpu.memref_slice %arg2[%add3A_345] : memref<320000xi32, #tpu.memory_space<hbm>> -> memref<2000xi32, #tpu.memory_space<hbm>>
            tpu.enqueue_dma source(%dma_start3A_347 : memref<2000xi32, #tpu.memory_space<hbm>>) target(%arg10 : memref<2000xi32, #tpu.memory_space<vmem>>) target_semaphore(%run_scoped3A : memref<!tpu.dma_semaphore, #tpu.memory_space<semaphore_mem>>)
            %dma_wait3A_348 = tpu.memref_slice %arg2[%add3A_345] : memref<320000xi32, #tpu.memory_space<hbm>> -> memref<2000xi32, #tpu.memory_space<hbm>>
            %dma_wait3A_349 = tpu.memref_slice %arg2[%add3A_345] : memref<320000xi32, #tpu.memory_space<hbm>> -> memref<2000xi32, #tpu.memory_space<hbm>>
            tpu.wait_dma2 semaphore(%run_scoped3A : memref<!tpu.dma_semaphore, #tpu.memory_space<semaphore_mem>>) src(%dma_wait3A_349 : memref<2000xi32, #tpu.memory_space<hbm>>) dst(%arg10 : memref<2000xi32, #tpu.memory_space<vmem>>)
            tpu.yield
          }) : () -> ()
          "tpu.region"() ({
            %run_scoped3A = tpu.sem_alloc : memref<!tpu.dma_semaphore, #tpu.memory_space<semaphore_mem>>
            %dma_start3A_346 = tpu.memref_slice %arg3[%add3A_345] : memref<320000xi32, #tpu.memory_space<hbm>> -> memref<2000xi32, #tpu.memory_space<hbm>>
            %dma_start3A_347 = tpu.memref_slice %arg3[%add3A_345] : memref<320000xi32, #tpu.memory_space<hbm>> -> memref<2000xi32, #tpu.memory_space<hbm>>
            tpu.enqueue_dma source(%dma_start3A_347 : memref<2000xi32, #tpu.memory_space<hbm>>) target(%arg11 : memref<2000xi32, #tpu.memory_space<vmem>>) target_semaphore(%run_scoped3A : memref<!tpu.dma_semaphore, #tpu.memory_space<semaphore_mem>>)
            %dma_wait3A_348 = tpu.memref_slice %arg3[%add3A_345] : memref<320000xi32, #tpu.memory_space<hbm>> -> memref<2000xi32, #tpu.memory_space<hbm>>
            %dma_wait3A_349 = tpu.memref_slice %arg3[%add3A_345] : memref<320000xi32, #tpu.memory_space<hbm>> -> memref<2000xi32, #tpu.memory_space<hbm>>
            tpu.wait_dma2 semaphore(%run_scoped3A : memref<!tpu.dma_semaphore, #tpu.memory_space<semaphore_mem>>) src(%dma_wait3A_349 : memref<2000xi32, #tpu.memory_space<hbm>>) dst(%arg11 : memref<2000xi32, #tpu.memory_space<vmem>>)
            tpu.yield
          }) : () -> ()
        } else {
        }
        %add3A_304 = arith.constant 1 : i32
        %add3A_305 = arith.addi %mul3A_118, %add3A_304 : i32
        %jit3A_306 = arith.constant 50 : i32
        %eq3A_307 = arith.constant 0 : i32
        %eq3A_308 = arith.cmpi eq, %jit3A_306, %eq3A_307 : i32
        %jit3A_309 = arith.constant 1 : i32
        %select_n3A_310 = arith.select %eq3A_308, %jit3A_309, %jit3A_306 : i32
        %rem3A_311 = arith.remsi %add3A_305, %select_n3A_310 : i32
        %ne3A_312 = arith.constant 0 : i32
        %ne3A_313 = arith.cmpi ne, %rem3A_311, %ne3A_312 : i32
        %lt3A_314 = arith.constant 0 : i32
        %lt3A_315 = arith.cmpi slt, %rem3A_311, %lt3A_314 : i32
        %lt3A_316 = arith.constant 0 : i32
        %lt3A_317 = arith.cmpi slt, %select_n3A_310, %lt3A_316 : i32
        %ne3A_318 = arith.xori %lt3A_315, %lt3A_317 : i1
        %and3A_319 = arith.andi %ne3A_318, %ne3A_313 : i1
        %add3A_320 = arith.addi %rem3A_311, %select_n3A_310 : i32
        %select_n3A_321 = arith.select %and3A_319, %add3A_320, %rem3A_311 : i32
        %mul3A_322 = arith.constant 40 : i32
        %mul3A_323 = arith.muli %select_n3A_321, %mul3A_322 : i32
        %dma_start3A_324 = tpu.memref_slice %arg11[%mul3A_323] : memref<2000xi32, #tpu.memory_space<vmem>> -> memref<40xi32, #tpu.memory_space<vmem>>
        %dma_start3A_325 = arith.constant 0 : i32
        %dma_start3A_326 = arith.constant 0 : i32
        %dma_start3A_327 = tpu.memref_slice %arg4[%dma_start3A_325, %dma_start3A_326] : memref<10000x128xf32, #tpu.memory_space<hbm>> -> memref<10000x128xf32, #tpu.memory_space<hbm>>
        tpu.enqueue_indirect_dma source(%dma_start3A_327 : memref<10000x128xf32, #tpu.memory_space<hbm>>) target(%arg13 : memref<40x128xf32, #tpu.memory_space<vmem>>) offsets(%dma_start3A_324 : memref<40xi32, #tpu.memory_space<vmem>>) semaphore(%arg22 : memref<!tpu.dma_semaphore, #tpu.memory_space<semaphore_mem>>)
        %mul3A_328 = arith.constant 40 : i32
        %mul3A_329 = arith.muli %select_n3A_321, %mul3A_328 : i32
        %dma_start3A_330 = tpu.memref_slice %arg10[%mul3A_329] : memref<2000xi32, #tpu.memory_space<vmem>> -> memref<40xi32, #tpu.memory_space<vmem>>
        %dma_start3A_331 = arith.constant 0 : i32
        %dma_start3A_332 = arith.constant 0 : i32
        %dma_start3A_333 = tpu.memref_slice %arg5[%dma_start3A_331, %dma_start3A_332] : memref<10000x128xf32, #tpu.memory_space<hbm>> -> memref<10000x128xf32, #tpu.memory_space<hbm>>
        tpu.enqueue_indirect_dma source(%dma_start3A_333 : memref<10000x128xf32, #tpu.memory_space<hbm>>) target(%arg15 : memref<40x128xf32, #tpu.memory_space<vmem>>) offsets(%dma_start3A_330 : memref<40xi32, #tpu.memory_space<vmem>>) semaphore(%arg22 : memref<!tpu.dma_semaphore, #tpu.memory_space<semaphore_mem>>)
        %mul3A_334 = arith.constant 40 : i32
        %mul3A_335 = arith.muli %add3A_305, %mul3A_334 : i32
        %add3A_336 = arith.addi %mul3A_73, %mul3A_335 : i32
        %dma_start3A_337 = arith.constant 0 : i32
        %dma_start3A_338 = tpu.memref_slice %arg6[%add3A_336, %dma_start3A_337] : memref<320000x128xf32, #tpu.memory_space<hbm>> -> memref<40x128xf32, #tpu.memory_space<hbm>>
        %dma_start3A_339 = arith.constant 0 : i32
        %dma_start3A_340 = tpu.memref_slice %arg6[%add3A_336, %dma_start3A_339] : memref<320000x128xf32, #tpu.memory_space<hbm>> -> memref<40x128xf32, #tpu.memory_space<hbm>>
        tpu.enqueue_dma source(%dma_start3A_340 : memref<40x128xf32, #tpu.memory_space<hbm>>) target(%arg17 : memref<40x128xf32, #tpu.memory_space<vmem>>) target_semaphore(%arg22 : memref<!tpu.dma_semaphore, #tpu.memory_space<semaphore_mem>>)
      } else {
      }
      %scan3A_184 = arith.constant 0 : i32
      %scan3A_185 = arith.constant 0 : i32
      %scan3A_186 = arith.constant 40 : i32
      %scan3A_187 = arith.addi %scan3A_185, %scan3A_186 : i32
      %scan3A_188 = arith.constant 1 : i32
      scf.for %scan3A_281 = %scan3A_185 to %scan3A_187 step %scan3A_188  : i32 {
        %get3A_282 = arith.index_cast %scan3A_281 : i32 to index
        %get3A_283 = arith.constant 0 : index
        %get3A_284 = tpu.vector_load %arg12[%get3A_282, %get3A_283] {strides = array<i32>} : memref<40x128xf32, #tpu.memory_space<vmem>>, vector<1x16xf32>,
        %get3A_285 = vector.shape_cast %get3A_284 : vector<1x16xf32> to vector<16xf32>
        %get3A_286 = arith.index_cast %scan3A_281 : i32 to index
        %get3A_287 = arith.constant 0 : index
        %get3A_288 = tpu.vector_load %arg14[%get3A_286, %get3A_287] {strides = array<i32>} : memref<40x128xf32, #tpu.memory_space<vmem>>, vector<1x16xf32>,
        %get3A_289 = vector.shape_cast %get3A_288 : vector<1x16xf32> to vector<16xf32>
        %add3A_290 = arith.addf %get3A_285, %get3A_289 : vector<16xf32>
        %get3A_291 = arith.index_cast %scan3A_281 : i32 to index
        %get3A_292 = arith.constant 0 : index
        %get3A_293 = tpu.vector_load %arg16[%get3A_291, %get3A_292] {strides = array<i32>} : memref<40x128xf32, #tpu.memory_space<vmem>>, vector<1x16xf32>,
        %get3A_294 = vector.shape_cast %get3A_293 : vector<1x16xf32> to vector<16xf32>
        %add3A_295 = arith.addf %add3A_290, %get3A_294 : vector<16xf32>
        %max3A = arith.constant 0.000000e+00 : f32
        %max3A_296 = vector.broadcast %max3A : f32 to vector<16xf32>
        %max3A_297 = arith.maximumf %add3A_295, %max3A_296 : vector<16xf32>
        %swap3A_298 = arith.index_cast %scan3A_281 : i32 to index
        %swap3A_299 = arith.constant 0 : index
        %swap3A_300 = tpu.vector_load %arg18[%swap3A_298, %swap3A_299] {strides = array<i32>} : memref<40x128xf32, #tpu.memory_space<vmem>>, vector<1x16xf32>,
        %swap3A_301 = vector.shape_cast %swap3A_300 : vector<1x16xf32> to vector<16xf32>
        %swap3A_302 = vector.shape_cast %max3A_297 : vector<16xf32> to vector<1x16xf32>
        tpu.vector_store %arg18[%swap3A_298, %swap3A_299], %swap3A_302 {strides = array<i32>} : memref<40x128xf32, #tpu.memory_space<vmem>>, vector<1x16xf32>,
        %get3A_303 = arith.index_cast %scan3A_281 : i32 to index
        %get3A_304 = arith.constant 16 : index
        %get3A_305 = tpu.vector_load %arg12[%get3A_303, %get3A_304] {strides = array<i32>} : memref<40x128xf32, #tpu.memory_space<vmem>>, vector<1x16xf32>,
        %get3A_306 = vector.shape_cast %get3A_305 : vector<1x16xf32> to vector<16xf32>
        %get3A_307 = arith.index_cast %scan3A_281 : i32 to index
        %get3A_308 = arith.constant 16 : index
        %get3A_309 = tpu.vector_load %arg14[%get3A_307, %get3A_308] {strides = array<i32>} : memref<40x128xf32, #tpu.memory_space<vmem>>, vector<1x16xf32>,
        %get3A_310 = vector.shape_cast %get3A_309 : vector<1x16xf32> to vector<16xf32>
        %add3A_311 = arith.addf %get3A_306, %get3A_310 : vector<16xf32>
        %get3A_312 = arith.index_cast %scan3A_281 : i32 to index
        %get3A_313 = arith.constant 16 : index
        %get3A_314 = tpu.vector_load %arg16[%get3A_312, %get3A_313] {strides = array<i32>} : memref<40x128xf32, #tpu.memory_space<vmem>>, vector<1x16xf32>,
        %get3A_315 = vector.shape_cast %get3A_314 : vector<1x16xf32> to vector<16xf32>
        %add3A_316 = arith.addf %add3A_311, %get3A_315 : vector<16xf32>
        %max3A_317 = arith.constant 0.000000e+00 : f32
        %max3A_318 = vector.broadcast %max3A_317 : f32 to vector<16xf32>
        %max3A_319 = arith.maximumf %add3A_316, %max3A_318 : vector<16xf32>
        %swap3A_320 = arith.index_cast %scan3A_281 : i32 to index
        %swap3A_321 = arith.constant 16 : index
        %swap3A_322 = tpu.vector_load %arg18[%swap3A_320, %swap3A_321] {strides = array<i32>} : memref<40x128xf32, #tpu.memory_space<vmem>>, vector<1x16xf32>,
        %swap3A_323 = vector.shape_cast %swap3A_322 : vector<1x16xf32> to vector<16xf32>
        %swap3A_324 = vector.shape_cast %max3A_319 : vector<16xf32> to vector<1x16xf32>
        tpu.vector_store %arg18[%swap3A_320, %swap3A_321], %swap3A_324 {strides = array<i32>} : memref<40x128xf32, #tpu.memory_space<vmem>>, vector<1x16xf32>,
        %get3A_325 = arith.index_cast %scan3A_281 : i32 to index
        %get3A_326 = arith.constant 32 : index
        %get3A_327 = tpu.vector_load %arg12[%get3A_325, %get3A_326] {strides = array<i32>} : memref<40x128xf32, #tpu.memory_space<vmem>>, vector<1x16xf32>,
        %get3A_328 = vector.shape_cast %get3A_327 : vector<1x16xf32> to vector<16xf32>
        %get3A_329 = arith.index_cast %scan3A_281 : i32 to index
        %get3A_330 = arith.constant 32 : index
        %get3A_331 = tpu.vector_load %arg14[%get3A_329, %get3A_330] {strides = array<i32>} : memref<40x128xf32, #tpu.memory_space<vmem>>, vector<1x16xf32>,
        %get3A_332 = vector.shape_cast %get3A_331 : vector<1x16xf32> to vector<16xf32>
        %add3A_333 = arith.addf %get3A_328, %get3A_332 : vector<16xf32>
        %get3A_334 = arith.index_cast %scan3A_281 : i32 to index
        %get3A_335 = arith.constant 32 : index
        %get3A_336 = tpu.vector_load %arg16[%get3A_334, %get3A_335] {strides = array<i32>} : memref<40x128xf32, #tpu.memory_space<vmem>>, vector<1x16xf32>,
        %get3A_337 = vector.shape_cast %get3A_336 : vector<1x16xf32> to vector<16xf32>
        %add3A_338 = arith.addf %add3A_333, %get3A_337 : vector<16xf32>
        %max3A_339 = arith.constant 0.000000e+00 : f32
        %max3A_340 = vector.broadcast %max3A_339 : f32 to vector<16xf32>
        %max3A_341 = arith.maximumf %add3A_338, %max3A_340 : vector<16xf32>
        %swap3A_342 = arith.index_cast %scan3A_281 : i32 to index
        %swap3A_343 = arith.constant 32 : index
        %swap3A_344 = tpu.vector_load %arg18[%swap3A_342, %swap3A_343] {strides = array<i32>} : memref<40x128xf32, #tpu.memory_space<vmem>>, vector<1x16xf32>,
        %swap3A_345 = vector.shape_cast %swap3A_344 : vector<1x16xf32> to vector<16xf32>
        %swap3A_346 = vector.shape_cast %max3A_341 : vector<16xf32> to vector<1x16xf32>
        tpu.vector_store %arg18[%swap3A_342, %swap3A_343], %swap3A_346 {strides = array<i32>} : memref<40x128xf32, #tpu.memory_space<vmem>>, vector<1x16xf32>,
        %get3A_347 = arith.index_cast %scan3A_281 : i32 to index
        %get3A_348 = arith.constant 48 : index
        %get3A_349 = tpu.vector_load %arg12[%get3A_347, %get3A_348] {strides = array<i32>} : memref<40x128xf32, #tpu.memory_space<vmem>>, vector<1x16xf32>,
        %get3A_350 = vector.shape_cast %get3A_349 : vector<1x16xf32> to vector<16xf32>
        %get3A_351 = arith.index_cast %scan3A_281 : i32 to index
        %get3A_352 = arith.constant 48 : index
        %get3A_353 = tpu.vector_load %arg14[%get3A_351, %get3A_352] {strides = array<i32>} : memref<40x128xf32, #tpu.memory_space<vmem>>, vector<1x16xf32>,
        %get3A_354 = vector.shape_cast %get3A_353 : vector<1x16xf32> to vector<16xf32>
        %add3A_355 = arith.addf %get3A_350, %get3A_354 : vector<16xf32>
        %get3A_356 = arith.index_cast %scan3A_281 : i32 to index
        %get3A_357 = arith.constant 48 : index
        %get3A_358 = tpu.vector_load %arg16[%get3A_356, %get3A_357] {strides = array<i32>} : memref<40x128xf32, #tpu.memory_space<vmem>>, vector<1x16xf32>,
        %get3A_359 = vector.shape_cast %get3A_358 : vector<1x16xf32> to vector<16xf32>
        %add3A_360 = arith.addf %add3A_355, %get3A_359 : vector<16xf32>
        %max3A_361 = arith.constant 0.000000e+00 : f32
        %max3A_362 = vector.broadcast %max3A_361 : f32 to vector<16xf32>
        %max3A_363 = arith.maximumf %add3A_360, %max3A_362 : vector<16xf32>
        %swap3A_364 = arith.index_cast %scan3A_281 : i32 to index
        %swap3A_365 = arith.constant 48 : index
        %swap3A_366 = tpu.vector_load %arg18[%swap3A_364, %swap3A_365] {strides = array<i32>} : memref<40x128xf32, #tpu.memory_space<vmem>>, vector<1x16xf32>,
        %swap3A_367 = vector.shape_cast %swap3A_366 : vector<1x16xf32> to vector<16xf32>
        %swap3A_368 = vector.shape_cast %max3A_363 : vector<16xf32> to vector<1x16xf32>
        tpu.vector_store %arg18[%swap3A_364, %swap3A_365], %swap3A_368 {strides = array<i32>} : memref<40x128xf32, #tpu.memory_space<vmem>>, vector<1x16xf32>,
        %get3A_369 = arith.index_cast %scan3A_281 : i32 to index
        %get3A_370 = arith.constant 64 : index
        %get3A_371 = tpu.vector_load %arg12[%get3A_369, %get3A_370] {strides = array<i32>} : memref<40x128xf32, #tpu.memory_space<vmem>>, vector<1x16xf32>,
        %get3A_372 = vector.shape_cast %get3A_371 : vector<1x16xf32> to vector<16xf32>
        %get3A_373 = arith.index_cast %scan3A_281 : i32 to index
        %get3A_374 = arith.constant 64 : index
        %get3A_375 = tpu.vector_load %arg14[%get3A_373, %get3A_374] {strides = array<i32>} : memref<40x128xf32, #tpu.memory_space<vmem>>, vector<1x16xf32>,
        %get3A_376 = vector.shape_cast %get3A_375 : vector<1x16xf32> to vector<16xf32>
        %add3A_377 = arith.addf %get3A_372, %get3A_376 : vector<16xf32>
        %get3A_378 = arith.index_cast %scan3A_281 : i32 to index
        %get3A_379 = arith.constant 64 : index
        %get3A_380 = tpu.vector_load %arg16[%get3A_378, %get3A_379] {strides = array<i32>} : memref<40x128xf32, #tpu.memory_space<vmem>>, vector<1x16xf32>,
        %get3A_381 = vector.shape_cast %get3A_380 : vector<1x16xf32> to vector<16xf32>
        %add3A_382 = arith.addf %add3A_377, %get3A_381 : vector<16xf32>
        %max3A_383 = arith.constant 0.000000e+00 : f32
        %max3A_384 = vector.broadcast %max3A_383 : f32 to vector<16xf32>
        %max3A_385 = arith.maximumf %add3A_382, %max3A_384 : vector<16xf32>
        %swap3A_386 = arith.index_cast %scan3A_281 : i32 to index
        %swap3A_387 = arith.constant 64 : index
        %swap3A_388 = tpu.vector_load %arg18[%swap3A_386, %swap3A_387] {strides = array<i32>} : memref<40x128xf32, #tpu.memory_space<vmem>>, vector<1x16xf32>,
        %swap3A_389 = vector.shape_cast %swap3A_388 : vector<1x16xf32> to vector<16xf32>
        %swap3A_390 = vector.shape_cast %max3A_385 : vector<16xf32> to vector<1x16xf32>
        tpu.vector_store %arg18[%swap3A_386, %swap3A_387], %swap3A_390 {strides = array<i32>} : memref<40x128xf32, #tpu.memory_space<vmem>>, vector<1x16xf32>,
        %get3A_391 = arith.index_cast %scan3A_281 : i32 to index
        %get3A_392 = arith.constant 80 : index
        %get3A_393 = tpu.vector_load %arg12[%get3A_391, %get3A_392] {strides = array<i32>} : memref<40x128xf32, #tpu.memory_space<vmem>>, vector<1x16xf32>,
        %get3A_394 = vector.shape_cast %get3A_393 : vector<1x16xf32> to vector<16xf32>
        %get3A_395 = arith.index_cast %scan3A_281 : i32 to index
        %get3A_396 = arith.constant 80 : index
        %get3A_397 = tpu.vector_load %arg14[%get3A_395, %get3A_396] {strides = array<i32>} : memref<40x128xf32, #tpu.memory_space<vmem>>, vector<1x16xf32>,
        %get3A_398 = vector.shape_cast %get3A_397 : vector<1x16xf32> to vector<16xf32>
        %add3A_399 = arith.addf %get3A_394, %get3A_398 : vector<16xf32>
        %get3A_400 = arith.index_cast %scan3A_281 : i32 to index
        %get3A_401 = arith.constant 80 : index
        %get3A_402 = tpu.vector_load %arg16[%get3A_400, %get3A_401] {strides = array<i32>} : memref<40x128xf32, #tpu.memory_space<vmem>>, vector<1x16xf32>,
        %get3A_403 = vector.shape_cast %get3A_402 : vector<1x16xf32> to vector<16xf32>
        %add3A_404 = arith.addf %add3A_399, %get3A_403 : vector<16xf32>
        %max3A_405 = arith.constant 0.000000e+00 : f32
        %max3A_406 = vector.broadcast %max3A_405 : f32 to vector<16xf32>
        %max3A_407 = arith.maximumf %add3A_404, %max3A_406 : vector<16xf32>
        %swap3A_408 = arith.index_cast %scan3A_281 : i32 to index
        %swap3A_409 = arith.constant 80 : index
        %swap3A_410 = tpu.vector_load %arg18[%swap3A_408, %swap3A_409] {strides = array<i32>} : memref<40x128xf32, #tpu.memory_space<vmem>>, vector<1x16xf32>,
        %swap3A_411 = vector.shape_cast %swap3A_410 : vector<1x16xf32> to vector<16xf32>
        %swap3A_412 = vector.shape_cast %max3A_407 : vector<16xf32> to vector<1x16xf32>
        tpu.vector_store %arg18[%swap3A_408, %swap3A_409], %swap3A_412 {strides = array<i32>} : memref<40x128xf32, #tpu.memory_space<vmem>>, vector<1x16xf32>,
        %get3A_413 = arith.index_cast %scan3A_281 : i32 to index
        %get3A_414 = arith.constant 96 : index
        %get3A_415 = tpu.vector_load %arg12[%get3A_413, %get3A_414] {strides = array<i32>} : memref<40x128xf32, #tpu.memory_space<vmem>>, vector<1x16xf32>,
        %get3A_416 = vector.shape_cast %get3A_415 : vector<1x16xf32> to vector<16xf32>
        %get3A_417 = arith.index_cast %scan3A_281 : i32 to index
        %get3A_418 = arith.constant 96 : index
        %get3A_419 = tpu.vector_load %arg14[%get3A_417, %get3A_418] {strides = array<i32>} : memref<40x128xf32, #tpu.memory_space<vmem>>, vector<1x16xf32>,
        %get3A_420 = vector.shape_cast %get3A_419 : vector<1x16xf32> to vector<16xf32>
        %add3A_421 = arith.addf %get3A_416, %get3A_420 : vector<16xf32>
        %get3A_422 = arith.index_cast %scan3A_281 : i32 to index
        %get3A_423 = arith.constant 96 : index
        %get3A_424 = tpu.vector_load %arg16[%get3A_422, %get3A_423] {strides = array<i32>} : memref<40x128xf32, #tpu.memory_space<vmem>>, vector<1x16xf32>,
        %get3A_425 = vector.shape_cast %get3A_424 : vector<1x16xf32> to vector<16xf32>
        %add3A_426 = arith.addf %add3A_421, %get3A_425 : vector<16xf32>
        %max3A_427 = arith.constant 0.000000e+00 : f32
        %max3A_428 = vector.broadcast %max3A_427 : f32 to vector<16xf32>
        %max3A_429 = arith.maximumf %add3A_426, %max3A_428 : vector<16xf32>
        %swap3A_430 = arith.index_cast %scan3A_281 : i32 to index
        %swap3A_431 = arith.constant 96 : index
        %swap3A_432 = tpu.vector_load %arg18[%swap3A_430, %swap3A_431] {strides = array<i32>} : memref<40x128xf32, #tpu.memory_space<vmem>>, vector<1x16xf32>,
        %swap3A_433 = vector.shape_cast %swap3A_432 : vector<1x16xf32> to vector<16xf32>
        %swap3A_434 = vector.shape_cast %max3A_429 : vector<16xf32> to vector<1x16xf32>
        tpu.vector_store %arg18[%swap3A_430, %swap3A_431], %swap3A_434 {strides = array<i32>} : memref<40x128xf32, #tpu.memory_space<vmem>>, vector<1x16xf32>,
        %get3A_435 = arith.index_cast %scan3A_281 : i32 to index
        %get3A_436 = arith.constant 112 : index
        %get3A_437 = tpu.vector_load %arg12[%get3A_435, %get3A_436] {strides = array<i32>} : memref<40x128xf32, #tpu.memory_space<vmem>>, vector<1x16xf32>,
        %get3A_438 = vector.shape_cast %get3A_437 : vector<1x16xf32> to vector<16xf32>
        %get3A_439 = arith.index_cast %scan3A_281 : i32 to index
        %get3A_440 = arith.constant 112 : index
        %get3A_441 = tpu.vector_load %arg14[%get3A_439, %get3A_440] {strides = array<i32>} : memref<40x128xf32, #tpu.memory_space<vmem>>, vector<1x16xf32>,
        %get3A_442 = vector.shape_cast %get3A_441 : vector<1x16xf32> to vector<16xf32>
        %add3A_443 = arith.addf %get3A_438, %get3A_442 : vector<16xf32>
        %get3A_444 = arith.index_cast %scan3A_281 : i32 to index
        %get3A_445 = arith.constant 112 : index
        %get3A_446 = tpu.vector_load %arg16[%get3A_444, %get3A_445] {strides = array<i32>} : memref<40x128xf32, #tpu.memory_space<vmem>>, vector<1x16xf32>,
        %get3A_447 = vector.shape_cast %get3A_446 : vector<1x16xf32> to vector<16xf32>
        %add3A_448 = arith.addf %add3A_443, %get3A_447 : vector<16xf32>
        %max3A_449 = arith.constant 0.000000e+00 : f32
        %max3A_450 = vector.broadcast %max3A_449 : f32 to vector<16xf32>
        %max3A_451 = arith.maximumf %add3A_448, %max3A_450 : vector<16xf32>
        %swap3A_452 = arith.index_cast %scan3A_281 : i32 to index
        %swap3A_453 = arith.constant 112 : index
        %swap3A_454 = tpu.vector_load %arg18[%swap3A_452, %swap3A_453] {strides = array<i32>} : memref<40x128xf32, #tpu.memory_space<vmem>>, vector<1x16xf32>,
        %swap3A_455 = vector.shape_cast %swap3A_454 : vector<1x16xf32> to vector<16xf32>
        %swap3A_456 = vector.shape_cast %max3A_451 : vector<16xf32> to vector<1x16xf32>
        tpu.vector_store %arg18[%swap3A_452, %swap3A_453], %swap3A_456 {strides = array<i32>} : memref<40x128xf32, #tpu.memory_space<vmem>>, vector<1x16xf32>,
      }
      %scan3A_189 = arith.constant 40 : i32
      %dma_start3A_190 = arith.constant 0 : i32
      %dma_start3A_191 = arith.constant 0 : i32
      %dma_start3A_192 = tpu.memref_slice %arg20[%dma_start3A_190, %dma_start3A_191] : memref<10000x128xf32, #tpu.memory_space<vmem_shared>> -> memref<10000x128xf32, #tpu.memory_space<vmem_shared>>
      tpu.enqueue_indirect_dma source(%arg18 : memref<40x128xf32, #tpu.memory_space<vmem>>) target(%dma_start3A_192 : memref<10000x128xf32, #tpu.memory_space<vmem_shared>>) offsets(%arg8 : memref<40xi32, #tpu.memory_space<vmem>>) semaphore(%arg23 : memref<!tpu.dma_semaphore, #tpu.memory_space<semaphore_mem>>) {add = true}
      %mul3A_193 = arith.constant 2 : i32
      %mul3A_194 = arith.muli %mul3A_193, %scan3A_116 : i32
      %add3A_195 = arith.constant 1 : i32
      %add3A_196 = arith.addi %mul3A_194, %add3A_195 : i32
      %dma_wait3A_197 = arith.constant 0 : i32
      %dma_wait3A_198 = arith.constant 0 : i32
      %dma_wait3A_199 = tpu.memref_slice %arg4[%dma_wait3A_197, %dma_wait3A_198] : memref<10000x128xf32, #tpu.memory_space<hbm>> -> memref<40x128xf32, #tpu.memory_space<hbm>>
      %dma_wait3A_200 = arith.constant 0 : i32
      %dma_wait3A_201 = arith.constant 0 : i32
      %dma_wait3A_202 = tpu.memref_slice %arg4[%dma_wait3A_200, %dma_wait3A_201] : memref<10000x128xf32, #tpu.memory_space<hbm>> -> memref<40x128xf32, #tpu.memory_space<hbm>>
      tpu.wait_dma2 semaphore(%arg22 : memref<!tpu.dma_semaphore, #tpu.memory_space<semaphore_mem>>) src(%dma_wait3A_202 : memref<40x128xf32, #tpu.memory_space<hbm>>) dst(%arg13 : memref<40x128xf32, #tpu.memory_space<vmem>>)
      %dma_wait3A_203 = arith.constant 0 : i32
      %dma_wait3A_204 = arith.constant 0 : i32
      %dma_wait3A_205 = tpu.memref_slice %arg5[%dma_wait3A_203, %dma_wait3A_204] : memref<10000x128xf32, #tpu.memory_space<hbm>> -> memref<40x128xf32, #tpu.memory_space<hbm>>
      %dma_wait3A_206 = arith.constant 0 : i32
      %dma_wait3A_207 = arith.constant 0 : i32
      %dma_wait3A_208 = tpu.memref_slice %arg5[%dma_wait3A_206, %dma_wait3A_207] : memref<10000x128xf32, #tpu.memory_space<hbm>> -> memref<40x128xf32, #tpu.memory_space<hbm>>
      tpu.wait_dma2 semaphore(%arg22 : memref<!tpu.dma_semaphore, #tpu.memory_space<semaphore_mem>>) src(%dma_wait3A_208 : memref<40x128xf32, #tpu.memory_space<hbm>>) dst(%arg15 : memref<40x128xf32, #tpu.memory_space<vmem>>)
      %dma_wait3A_209 = arith.constant 0 : i32
      %dma_wait3A_210 = arith.constant 0 : i32
      %dma_wait3A_211 = tpu.memref_slice %arg6[%dma_wait3A_209, %dma_wait3A_210] : memref<320000x128xf32, #tpu.memory_space<hbm>> -> memref<40x128xf32, #tpu.memory_space<hbm>>
      %dma_wait3A_212 = arith.constant 0 : i32
      %dma_wait3A_213 = arith.constant 0 : i32
      %dma_wait3A_214 = tpu.memref_slice %arg6[%dma_wait3A_212, %dma_wait3A_213] : memref<320000x128xf32, #tpu.memory_space<hbm>> -> memref<40x128xf32, #tpu.memory_space<hbm>>
      tpu.wait_dma2 semaphore(%arg22 : memref<!tpu.dma_semaphore, #tpu.memory_space<semaphore_mem>>) src(%dma_wait3A_214 : memref<40x128xf32, #tpu.memory_space<hbm>>) dst(%arg17 : memref<40x128xf32, #tpu.memory_space<vmem>>)
      %ge3A_215 = arith.constant 2 : i32
      %ge3A_216 = arith.cmpi sge, %add3A_196, %ge3A_215 : i32
      %convert_element_type3A_217 = arith.extui %ge3A_216 : i1 to i32
      %cond3A_218 = arith.constant 0 : i32
      %cond3A_219 = arith.cmpi ne, %convert_element_type3A_217, %cond3A_218 : i32
      scf.if %cond3A_219 {
        %dma_wait3A_281 = arith.constant 0 : i32
        %dma_wait3A_282 = arith.constant 0 : i32
        %dma_wait3A_283 = tpu.memref_slice %arg20[%dma_wait3A_281, %dma_wait3A_282] : memref<10000x128xf32, #tpu.memory_space<vmem_shared>> -> memref<40x128xf32, #tpu.memory_space<vmem_shared>>
        %dma_wait3A_284 = arith.constant 0 : i32
        %dma_wait3A_285 = arith.constant 0 : i32
        %dma_wait3A_286 = tpu.memref_slice %arg20[%dma_wait3A_284, %dma_wait3A_285] : memref<10000x128xf32, #tpu.memory_space<vmem_shared>> -> memref<40x128xf32, #tpu.memory_space<vmem_shared>>
        tpu.wait_dma2 semaphore(%arg24 : memref<!tpu.dma_semaphore, #tpu.memory_space<semaphore_mem>>) src(%arg19 : memref<40x128xf32, #tpu.memory_space<vmem>>) dst(%dma_wait3A_286 : memref<40x128xf32, #tpu.memory_space<vmem_shared>>)
      } else {
      }
      %jit3A_220 = arith.constant 50 : i32
      %eq3A_221 = arith.constant 0 : i32
      %eq3A_222 = arith.cmpi eq, %jit3A_220, %eq3A_221 : i32
      %jit3A_223 = arith.constant 1 : i32
      %select_n3A_224 = arith.select %eq3A_222, %jit3A_223, %jit3A_220 : i32
      %rem3A_225 = arith.remsi %add3A_196, %select_n3A_224 : i32
      %ne3A_226 = arith.constant 0 : i32
      %ne3A_227 = arith.cmpi ne, %rem3A_225, %ne3A_226 : i32
      %lt3A_228 = arith.constant 0 : i32
      %lt3A_229 = arith.cmpi slt, %rem3A_225, %lt3A_228 : i32
      %lt3A_230 = arith.constant 0 : i32
      %lt3A_231 = arith.cmpi slt, %select_n3A_224, %lt3A_230 : i32
      %ne3A_232 = arith.xori %lt3A_229, %lt3A_231 : i1
      %and3A_233 = arith.andi %ne3A_232, %ne3A_227 : i1
      %add3A_234 = arith.addi %rem3A_225, %select_n3A_224 : i32
      %select_n3A_235 = arith.select %and3A_233, %add3A_234, %rem3A_225 : i32
      %mul3A_236 = arith.constant 40 : i32
      %mul3A_237 = arith.muli %select_n3A_235, %mul3A_236 : i32
      %get3A_238 = arith.index_cast %mul3A_237 : i32 to index
      %get3A_239 = tpu.vector_load %arg10[%get3A_238] {strides = array<i32>} : memref<2000xi32, #tpu.memory_space<vmem>>, vector<16xi32>,
      %get3A_240 = vector.shape_cast %get3A_239 : vector<16xi32> to vector<16xi32>
      %swap3A_241 = arith.constant 0 : index
      %swap3A_242 = tpu.vector_load %arg9[%swap3A_241] {strides = array<i32>} : memref<40xi32, #tpu.memory_space<vmem>>, vector<16xi32>,
      %swap3A_243 = vector.shape_cast %swap3A_242 : vector<16xi32> to vector<16xi32>
      %swap3A_244 = vector.shape_cast %get3A_240 : vector<16xi32> to vector<16xi32>
      tpu.vector_store %arg9[%swap3A_241], %swap3A_244 {strides = array<i32>} : memref<40xi32, #tpu.memory_space<vmem>>, vector<16xi32>,
      %add3A_245 = arith.constant 16 : i32
      %add3A_246 = arith.addi %mul3A_237, %add3A_245 : i32
      %get3A_247 = arith.index_cast %add3A_246 : i32 to index
      %get3A_248 = tpu.vector_load %arg10[%get3A_247] {strides = array<i32>} : memref<2000xi32, #tpu.memory_space<vmem>>, vector<16xi32>,
      %get3A_249 = vector.shape_cast %get3A_248 : vector<16xi32> to vector<16xi32>
      %swap3A_250 = arith.constant 16 : index
      %swap3A_251 = tpu.vector_load %arg9[%swap3A_250] {strides = array<i32>} : memref<40xi32, #tpu.memory_space<vmem>>, vector<16xi32>,
      %swap3A_252 = vector.shape_cast %swap3A_251 : vector<16xi32> to vector<16xi32>
      %swap3A_253 = vector.shape_cast %get3A_249 : vector<16xi32> to vector<16xi32>
      tpu.vector_store %arg9[%swap3A_250], %swap3A_253 {strides = array<i32>} : memref<40xi32, #tpu.memory_space<vmem>>, vector<16xi32>,
      %add3A_254 = arith.constant 40 : i32
      %add3A_255 = arith.addi %mul3A_237, %add3A_254 : i32
      %sub3A_256 = arith.constant 16 : i32
      %sub3A_257 = arith.subi %add3A_255, %sub3A_256 : i32
      %get3A_258 = arith.index_cast %sub3A_257 : i32 to index
      %get3A_259 = tpu.vector_load %arg10[%get3A_258] {strides = array<i32>} : memref<2000xi32, #tpu.memory_space<vmem>>, vector<16xi32>,
      %get3A_260 = vector.shape_cast %get3A_259 : vector<16xi32> to vector<16xi32>
      %swap3A_261 = arith.constant 24 : index
      %swap3A_262 = tpu.vector_load %arg9[%swap3A_261] {strides = array<i32>} : memref<40xi32, #tpu.memory_space<vmem>>, vector<16xi32>,
      %swap3A_263 = vector.shape_cast %swap3A_262 : vector<16xi32> to vector<16xi32>
      %swap3A_264 = vector.shape_cast %get3A_260 : vector<16xi32> to vector<16xi32>
      tpu.vector_store %arg9[%swap3A_261], %swap3A_264 {strides = array<i32>} : memref<40xi32, #tpu.memory_space<vmem>>, vector<16xi32>,
      %add3A_265 = arith.constant 1 : i32
      %add3A_266 = arith.addi %add3A_196, %add3A_265 : i32
      %lt3A_267 = arith.constant 250 : i32
      %lt3A_268 = arith.cmpi slt, %add3A_266, %lt3A_267 : i32
      %convert_element_type3A_269 = arith.extui %lt3A_268 : i1 to i32
      %cond3A_270 = arith.constant 0 : i32
      %cond3A_271 = arith.cmpi ne, %convert_element_type3A_269, %cond3A_270 : i32
      scf.if %cond3A_271 {
        %add3A_281 = arith.constant 1 : i32
        %add3A_282 = arith.addi %add3A_196, %add3A_281 : i32
        %jit3A_283 = arith.constant 50 : i32
        %eq3A_284 = arith.constant 0 : i32
        %eq3A_285 = arith.cmpi eq, %jit3A_283, %eq3A_284 : i32
        %jit3A_286 = arith.constant 1 : i32
        %select_n3A_287 = arith.select %eq3A_285, %jit3A_286, %jit3A_283 : i32
        %rem3A_288 = arith.remsi %add3A_282, %select_n3A_287 : i32
        %ne3A_289 = arith.constant 0 : i32
        %ne3A_290 = arith.cmpi ne, %rem3A_288, %ne3A_289 : i32
        %lt3A_291 = arith.constant 0 : i32
        %lt3A_292 = arith.cmpi slt, %rem3A_288, %lt3A_291 : i32
        %lt3A_293 = arith.constant 0 : i32
        %lt3A_294 = arith.cmpi slt, %select_n3A_287, %lt3A_293 : i32
        %ne3A_295 = arith.xori %lt3A_292, %lt3A_294 : i1
        %and3A_296 = arith.andi %ne3A_295, %ne3A_290 : i1
        %add3A_297 = arith.addi %rem3A_288, %select_n3A_287 : i32
        %select_n3A_298 = arith.select %and3A_296, %add3A_297, %rem3A_288 : i32
        %eq3A_299 = arith.constant 0 : i32
        %eq3A_300 = arith.cmpi eq, %select_n3A_298, %eq3A_299 : i32
        %convert_element_type3A_301 = arith.extui %eq3A_300 : i1 to i32
        %cond3A_302 = arith.constant 0 : i32
        %cond3A_303 = arith.cmpi ne, %convert_element_type3A_301, %cond3A_302 : i32
        scf.if %cond3A_303 {
          %add3A_341 = arith.constant 1 : i32
          %add3A_342 = arith.addi %add3A_196, %add3A_341 : i32
          %mul3A_343 = arith.constant 40 : i32
          %mul3A_344 = arith.muli %add3A_342, %mul3A_343 : i32
          %add3A_345 = arith.addi %mul3A_73, %mul3A_344 : i32
          "tpu.region"() ({
            %run_scoped3A = tpu.sem_alloc : memref<!tpu.dma_semaphore, #tpu.memory_space<semaphore_mem>>
            %dma_start3A_346 = tpu.memref_slice %arg2[%add3A_345] : memref<320000xi32, #tpu.memory_space<hbm>> -> memref<2000xi32, #tpu.memory_space<hbm>>
            %dma_start3A_347 = tpu.memref_slice %arg2[%add3A_345] : memref<320000xi32, #tpu.memory_space<hbm>> -> memref<2000xi32, #tpu.memory_space<hbm>>
            tpu.enqueue_dma source(%dma_start3A_347 : memref<2000xi32, #tpu.memory_space<hbm>>) target(%arg10 : memref<2000xi32, #tpu.memory_space<vmem>>) target_semaphore(%run_scoped3A : memref<!tpu.dma_semaphore, #tpu.memory_space<semaphore_mem>>)
            %dma_wait3A_348 = tpu.memref_slice %arg2[%add3A_345] : memref<320000xi32, #tpu.memory_space<hbm>> -> memref<2000xi32, #tpu.memory_space<hbm>>
            %dma_wait3A_349 = tpu.memref_slice %arg2[%add3A_345] : memref<320000xi32, #tpu.memory_space<hbm>> -> memref<2000xi32, #tpu.memory_space<hbm>>
            tpu.wait_dma2 semaphore(%run_scoped3A : memref<!tpu.dma_semaphore, #tpu.memory_space<semaphore_mem>>) src(%dma_wait3A_349 : memref<2000xi32, #tpu.memory_space<hbm>>) dst(%arg10 : memref<2000xi32, #tpu.memory_space<vmem>>)
            tpu.yield
          }) : () -> ()
          "tpu.region"() ({
            %run_scoped3A = tpu.sem_alloc : memref<!tpu.dma_semaphore, #tpu.memory_space<semaphore_mem>>
            %dma_start3A_346 = tpu.memref_slice %arg3[%add3A_345] : memref<320000xi32, #tpu.memory_space<hbm>> -> memref<2000xi32, #tpu.memory_space<hbm>>
            %dma_start3A_347 = tpu.memref_slice %arg3[%add3A_345] : memref<320000xi32, #tpu.memory_space<hbm>> -> memref<2000xi32, #tpu.memory_space<hbm>>
            tpu.enqueue_dma source(%dma_start3A_347 : memref<2000xi32, #tpu.memory_space<hbm>>) target(%arg11 : memref<2000xi32, #tpu.memory_space<vmem>>) target_semaphore(%run_scoped3A : memref<!tpu.dma_semaphore, #tpu.memory_space<semaphore_mem>>)
            %dma_wait3A_348 = tpu.memref_slice %arg3[%add3A_345] : memref<320000xi32, #tpu.memory_space<hbm>> -> memref<2000xi32, #tpu.memory_space<hbm>>
            %dma_wait3A_349 = tpu.memref_slice %arg3[%add3A_345] : memref<320000xi32, #tpu.memory_space<hbm>> -> memref<2000xi32, #tpu.memory_space<hbm>>
            tpu.wait_dma2 semaphore(%run_scoped3A : memref<!tpu.dma_semaphore, #tpu.memory_space<semaphore_mem>>) src(%dma_wait3A_349 : memref<2000xi32, #tpu.memory_space<hbm>>) dst(%arg11 : memref<2000xi32, #tpu.memory_space<vmem>>)
            tpu.yield
          }) : () -> ()
        } else {
        }
        %add3A_304 = arith.constant 1 : i32
        %add3A_305 = arith.addi %add3A_196, %add3A_304 : i32
        %jit3A_306 = arith.constant 50 : i32
        %eq3A_307 = arith.constant 0 : i32
        %eq3A_308 = arith.cmpi eq, %jit3A_306, %eq3A_307 : i32
        %jit3A_309 = arith.constant 1 : i32
        %select_n3A_310 = arith.select %eq3A_308, %jit3A_309, %jit3A_306 : i32
        %rem3A_311 = arith.remsi %add3A_305, %select_n3A_310 : i32
        %ne3A_312 = arith.constant 0 : i32
        %ne3A_313 = arith.cmpi ne, %rem3A_311, %ne3A_312 : i32
        %lt3A_314 = arith.constant 0 : i32
        %lt3A_315 = arith.cmpi slt, %rem3A_311, %lt3A_314 : i32
        %lt3A_316 = arith.constant 0 : i32
        %lt3A_317 = arith.cmpi slt, %select_n3A_310, %lt3A_316 : i32
        %ne3A_318 = arith.xori %lt3A_315, %lt3A_317 : i1
        %and3A_319 = arith.andi %ne3A_318, %ne3A_313 : i1
        %add3A_320 = arith.addi %rem3A_311, %select_n3A_310 : i32
        %select_n3A_321 = arith.select %and3A_319, %add3A_320, %rem3A_311 : i32
        %mul3A_322 = arith.constant 40 : i32
        %mul3A_323 = arith.muli %select_n3A_321, %mul3A_322 : i32
        %dma_start3A_324 = tpu.memref_slice %arg11[%mul3A_323] : memref<2000xi32, #tpu.memory_space<vmem>> -> memref<40xi32, #tpu.memory_space<vmem>>
        %dma_start3A_325 = arith.constant 0 : i32
        %dma_start3A_326 = arith.constant 0 : i32
        %dma_start3A_327 = tpu.memref_slice %arg4[%dma_start3A_325, %dma_start3A_326] : memref<10000x128xf32, #tpu.memory_space<hbm>> -> memref<10000x128xf32, #tpu.memory_space<hbm>>
        tpu.enqueue_indirect_dma source(%dma_start3A_327 : memref<10000x128xf32, #tpu.memory_space<hbm>>) target(%arg12 : memref<40x128xf32, #tpu.memory_space<vmem>>) offsets(%dma_start3A_324 : memref<40xi32, #tpu.memory_space<vmem>>) semaphore(%arg21 : memref<!tpu.dma_semaphore, #tpu.memory_space<semaphore_mem>>)
        %mul3A_328 = arith.constant 40 : i32
        %mul3A_329 = arith.muli %select_n3A_321, %mul3A_328 : i32
        %dma_start3A_330 = tpu.memref_slice %arg10[%mul3A_329] : memref<2000xi32, #tpu.memory_space<vmem>> -> memref<40xi32, #tpu.memory_space<vmem>>
        %dma_start3A_331 = arith.constant 0 : i32
        %dma_start3A_332 = arith.constant 0 : i32
        %dma_start3A_333 = tpu.memref_slice %arg5[%dma_start3A_331, %dma_start3A_332] : memref<10000x128xf32, #tpu.memory_space<hbm>> -> memref<10000x128xf32, #tpu.memory_space<hbm>>
        tpu.enqueue_indirect_dma source(%dma_start3A_333 : memref<10000x128xf32, #tpu.memory_space<hbm>>) target(%arg14 : memref<40x128xf32, #tpu.memory_space<vmem>>) offsets(%dma_start3A_330 : memref<40xi32, #tpu.memory_space<vmem>>) semaphore(%arg21 : memref<!tpu.dma_semaphore, #tpu.memory_space<semaphore_mem>>)
        %mul3A_334 = arith.constant 40 : i32
        %mul3A_335 = arith.muli %add3A_305, %mul3A_334 : i32
        %add3A_336 = arith.addi %mul3A_73, %mul3A_335 : i32
        %dma_start3A_337 = arith.constant 0 : i32
        %dma_start3A_338 = tpu.memref_slice %arg6[%add3A_336, %dma_start3A_337] : memref<320000x128xf32, #tpu.memory_space<hbm>> -> memref<40x128xf32, #tpu.memory_space<hbm>>
        %dma_start3A_339 = arith.constant 0 : i32
        %dma_start3A_340 = tpu.memref_slice %arg6[%add3A_336, %dma_start3A_339] : memref<320000x128xf32, #tpu.memory_space<hbm>> -> memref<40x128xf32, #tpu.memory_space<hbm>>
        tpu.enqueue_dma source(%dma_start3A_340 : memref<40x128xf32, #tpu.memory_space<hbm>>) target(%arg16 : memref<40x128xf32, #tpu.memory_space<vmem>>) target_semaphore(%arg21 : memref<!tpu.dma_semaphore, #tpu.memory_space<semaphore_mem>>)
      } else {
      }
      %scan3A_272 = arith.constant 0 : i32
      %scan3A_273 = arith.constant 0 : i32
      %scan3A_274 = arith.constant 40 : i32
      %scan3A_275 = arith.addi %scan3A_273, %scan3A_274 : i32
      %scan3A_276 = arith.constant 1 : i32
      scf.for %scan3A_281 = %scan3A_273 to %scan3A_275 step %scan3A_276  : i32 {
        %get3A_282 = arith.index_cast %scan3A_281 : i32 to index
        %get3A_283 = arith.constant 0 : index
        %get3A_284 = tpu.vector_load %arg13[%get3A_282, %get3A_283] {strides = array<i32>} : memref<40x128xf32, #tpu.memory_space<vmem>>, vector<1x16xf32>,
        %get3A_285 = vector.shape_cast %get3A_284 : vector<1x16xf32> to vector<16xf32>
        %get3A_286 = arith.index_cast %scan3A_281 : i32 to index
        %get3A_287 = arith.constant 0 : index
        %get3A_288 = tpu.vector_load %arg15[%get3A_286, %get3A_287] {strides = array<i32>} : memref<40x128xf32, #tpu.memory_space<vmem>>, vector<1x16xf32>,
        %get3A_289 = vector.shape_cast %get3A_288 : vector<1x16xf32> to vector<16xf32>
        %add3A_290 = arith.addf %get3A_285, %get3A_289 : vector<16xf32>
        %get3A_291 = arith.index_cast %scan3A_281 : i32 to index
        %get3A_292 = arith.constant 0 : index
        %get3A_293 = tpu.vector_load %arg17[%get3A_291, %get3A_292] {strides = array<i32>} : memref<40x128xf32, #tpu.memory_space<vmem>>, vector<1x16xf32>,
        %get3A_294 = vector.shape_cast %get3A_293 : vector<1x16xf32> to vector<16xf32>
        %add3A_295 = arith.addf %add3A_290, %get3A_294 : vector<16xf32>
        %max3A = arith.constant 0.000000e+00 : f32
        %max3A_296 = vector.broadcast %max3A : f32 to vector<16xf32>
        %max3A_297 = arith.maximumf %add3A_295, %max3A_296 : vector<16xf32>
        %swap3A_298 = arith.index_cast %scan3A_281 : i32 to index
        %swap3A_299 = arith.constant 0 : index
        %swap3A_300 = tpu.vector_load %arg19[%swap3A_298, %swap3A_299] {strides = array<i32>} : memref<40x128xf32, #tpu.memory_space<vmem>>, vector<1x16xf32>,
        %swap3A_301 = vector.shape_cast %swap3A_300 : vector<1x16xf32> to vector<16xf32>
        %swap3A_302 = vector.shape_cast %max3A_297 : vector<16xf32> to vector<1x16xf32>
        tpu.vector_store %arg19[%swap3A_298, %swap3A_299], %swap3A_302 {strides = array<i32>} : memref<40x128xf32, #tpu.memory_space<vmem>>, vector<1x16xf32>,
        %get3A_303 = arith.index_cast %scan3A_281 : i32 to index
        %get3A_304 = arith.constant 16 : index
        %get3A_305 = tpu.vector_load %arg13[%get3A_303, %get3A_304] {strides = array<i32>} : memref<40x128xf32, #tpu.memory_space<vmem>>, vector<1x16xf32>,
        %get3A_306 = vector.shape_cast %get3A_305 : vector<1x16xf32> to vector<16xf32>
        %get3A_307 = arith.index_cast %scan3A_281 : i32 to index
        %get3A_308 = arith.constant 16 : index
        %get3A_309 = tpu.vector_load %arg15[%get3A_307, %get3A_308] {strides = array<i32>} : memref<40x128xf32, #tpu.memory_space<vmem>>, vector<1x16xf32>,
        %get3A_310 = vector.shape_cast %get3A_309 : vector<1x16xf32> to vector<16xf32>
        %add3A_311 = arith.addf %get3A_306, %get3A_310 : vector<16xf32>
        %get3A_312 = arith.index_cast %scan3A_281 : i32 to index
        %get3A_313 = arith.constant 16 : index
        %get3A_314 = tpu.vector_load %arg17[%get3A_312, %get3A_313] {strides = array<i32>} : memref<40x128xf32, #tpu.memory_space<vmem>>, vector<1x16xf32>,
        %get3A_315 = vector.shape_cast %get3A_314 : vector<1x16xf32> to vector<16xf32>
        %add3A_316 = arith.addf %add3A_311, %get3A_315 : vector<16xf32>
        %max3A_317 = arith.constant 0.000000e+00 : f32
        %max3A_318 = vector.broadcast %max3A_317 : f32 to vector<16xf32>
        %max3A_319 = arith.maximumf %add3A_316, %max3A_318 : vector<16xf32>
        %swap3A_320 = arith.index_cast %scan3A_281 : i32 to index
        %swap3A_321 = arith.constant 16 : index
        %swap3A_322 = tpu.vector_load %arg19[%swap3A_320, %swap3A_321] {strides = array<i32>} : memref<40x128xf32, #tpu.memory_space<vmem>>, vector<1x16xf32>,
        %swap3A_323 = vector.shape_cast %swap3A_322 : vector<1x16xf32> to vector<16xf32>
        %swap3A_324 = vector.shape_cast %max3A_319 : vector<16xf32> to vector<1x16xf32>
        tpu.vector_store %arg19[%swap3A_320, %swap3A_321], %swap3A_324 {strides = array<i32>} : memref<40x128xf32, #tpu.memory_space<vmem>>, vector<1x16xf32>,
        %get3A_325 = arith.index_cast %scan3A_281 : i32 to index
        %get3A_326 = arith.constant 32 : index
        %get3A_327 = tpu.vector_load %arg13[%get3A_325, %get3A_326] {strides = array<i32>} : memref<40x128xf32, #tpu.memory_space<vmem>>, vector<1x16xf32>,
        %get3A_328 = vector.shape_cast %get3A_327 : vector<1x16xf32> to vector<16xf32>
        %get3A_329 = arith.index_cast %scan3A_281 : i32 to index
        %get3A_330 = arith.constant 32 : index
        %get3A_331 = tpu.vector_load %arg15[%get3A_329, %get3A_330] {strides = array<i32>} : memref<40x128xf32, #tpu.memory_space<vmem>>, vector<1x16xf32>,
        %get3A_332 = vector.shape_cast %get3A_331 : vector<1x16xf32> to vector<16xf32>
        %add3A_333 = arith.addf %get3A_328, %get3A_332 : vector<16xf32>
        %get3A_334 = arith.index_cast %scan3A_281 : i32 to index
        %get3A_335 = arith.constant 32 : index
        %get3A_336 = tpu.vector_load %arg17[%get3A_334, %get3A_335] {strides = array<i32>} : memref<40x128xf32, #tpu.memory_space<vmem>>, vector<1x16xf32>,
        %get3A_337 = vector.shape_cast %get3A_336 : vector<1x16xf32> to vector<16xf32>
        %add3A_338 = arith.addf %add3A_333, %get3A_337 : vector<16xf32>
        %max3A_339 = arith.constant 0.000000e+00 : f32
        %max3A_340 = vector.broadcast %max3A_339 : f32 to vector<16xf32>
        %max3A_341 = arith.maximumf %add3A_338, %max3A_340 : vector<16xf32>
        %swap3A_342 = arith.index_cast %scan3A_281 : i32 to index
        %swap3A_343 = arith.constant 32 : index
        %swap3A_344 = tpu.vector_load %arg19[%swap3A_342, %swap3A_343] {strides = array<i32>} : memref<40x128xf32, #tpu.memory_space<vmem>>, vector<1x16xf32>,
        %swap3A_345 = vector.shape_cast %swap3A_344 : vector<1x16xf32> to vector<16xf32>
        %swap3A_346 = vector.shape_cast %max3A_341 : vector<16xf32> to vector<1x16xf32>
        tpu.vector_store %arg19[%swap3A_342, %swap3A_343], %swap3A_346 {strides = array<i32>} : memref<40x128xf32, #tpu.memory_space<vmem>>, vector<1x16xf32>,
        %get3A_347 = arith.index_cast %scan3A_281 : i32 to index
        %get3A_348 = arith.constant 48 : index
        %get3A_349 = tpu.vector_load %arg13[%get3A_347, %get3A_348] {strides = array<i32>} : memref<40x128xf32, #tpu.memory_space<vmem>>, vector<1x16xf32>,
        %get3A_350 = vector.shape_cast %get3A_349 : vector<1x16xf32> to vector<16xf32>
        %get3A_351 = arith.index_cast %scan3A_281 : i32 to index
        %get3A_352 = arith.constant 48 : index
        %get3A_353 = tpu.vector_load %arg15[%get3A_351, %get3A_352] {strides = array<i32>} : memref<40x128xf32, #tpu.memory_space<vmem>>, vector<1x16xf32>,
        %get3A_354 = vector.shape_cast %get3A_353 : vector<1x16xf32> to vector<16xf32>
        %add3A_355 = arith.addf %get3A_350, %get3A_354 : vector<16xf32>
        %get3A_356 = arith.index_cast %scan3A_281 : i32 to index
        %get3A_357 = arith.constant 48 : index
        %get3A_358 = tpu.vector_load %arg17[%get3A_356, %get3A_357] {strides = array<i32>} : memref<40x128xf32, #tpu.memory_space<vmem>>, vector<1x16xf32>,
        %get3A_359 = vector.shape_cast %get3A_358 : vector<1x16xf32> to vector<16xf32>
        %add3A_360 = arith.addf %add3A_355, %get3A_359 : vector<16xf32>
        %max3A_361 = arith.constant 0.000000e+00 : f32
        %max3A_362 = vector.broadcast %max3A_361 : f32 to vector<16xf32>
        %max3A_363 = arith.maximumf %add3A_360, %max3A_362 : vector<16xf32>
        %swap3A_364 = arith.index_cast %scan3A_281 : i32 to index
        %swap3A_365 = arith.constant 48 : index
        %swap3A_366 = tpu.vector_load %arg19[%swap3A_364, %swap3A_365] {strides = array<i32>} : memref<40x128xf32, #tpu.memory_space<vmem>>, vector<1x16xf32>,
        %swap3A_367 = vector.shape_cast %swap3A_366 : vector<1x16xf32> to vector<16xf32>
        %swap3A_368 = vector.shape_cast %max3A_363 : vector<16xf32> to vector<1x16xf32>
        tpu.vector_store %arg19[%swap3A_364, %swap3A_365], %swap3A_368 {strides = array<i32>} : memref<40x128xf32, #tpu.memory_space<vmem>>, vector<1x16xf32>,
        %get3A_369 = arith.index_cast %scan3A_281 : i32 to index
        %get3A_370 = arith.constant 64 : index
        %get3A_371 = tpu.vector_load %arg13[%get3A_369, %get3A_370] {strides = array<i32>} : memref<40x128xf32, #tpu.memory_space<vmem>>, vector<1x16xf32>,
        %get3A_372 = vector.shape_cast %get3A_371 : vector<1x16xf32> to vector<16xf32>
        %get3A_373 = arith.index_cast %scan3A_281 : i32 to index
        %get3A_374 = arith.constant 64 : index
        %get3A_375 = tpu.vector_load %arg15[%get3A_373, %get3A_374] {strides = array<i32>} : memref<40x128xf32, #tpu.memory_space<vmem>>, vector<1x16xf32>,
        %get3A_376 = vector.shape_cast %get3A_375 : vector<1x16xf32> to vector<16xf32>
        %add3A_377 = arith.addf %get3A_372, %get3A_376 : vector<16xf32>
        %get3A_378 = arith.index_cast %scan3A_281 : i32 to index
        %get3A_379 = arith.constant 64 : index
        %get3A_380 = tpu.vector_load %arg17[%get3A_378, %get3A_379] {strides = array<i32>} : memref<40x128xf32, #tpu.memory_space<vmem>>, vector<1x16xf32>,
        %get3A_381 = vector.shape_cast %get3A_380 : vector<1x16xf32> to vector<16xf32>
        %add3A_382 = arith.addf %add3A_377, %get3A_381 : vector<16xf32>
        %max3A_383 = arith.constant 0.000000e+00 : f32
        %max3A_384 = vector.broadcast %max3A_383 : f32 to vector<16xf32>
        %max3A_385 = arith.maximumf %add3A_382, %max3A_384 : vector<16xf32>
        %swap3A_386 = arith.index_cast %scan3A_281 : i32 to index
        %swap3A_387 = arith.constant 64 : index
        %swap3A_388 = tpu.vector_load %arg19[%swap3A_386, %swap3A_387] {strides = array<i32>} : memref<40x128xf32, #tpu.memory_space<vmem>>, vector<1x16xf32>,
        %swap3A_389 = vector.shape_cast %swap3A_388 : vector<1x16xf32> to vector<16xf32>
        %swap3A_390 = vector.shape_cast %max3A_385 : vector<16xf32> to vector<1x16xf32>
        tpu.vector_store %arg19[%swap3A_386, %swap3A_387], %swap3A_390 {strides = array<i32>} : memref<40x128xf32, #tpu.memory_space<vmem>>, vector<1x16xf32>,
        %get3A_391 = arith.index_cast %scan3A_281 : i32 to index
        %get3A_392 = arith.constant 80 : index
        %get3A_393 = tpu.vector_load %arg13[%get3A_391, %get3A_392] {strides = array<i32>} : memref<40x128xf32, #tpu.memory_space<vmem>>, vector<1x16xf32>,
        %get3A_394 = vector.shape_cast %get3A_393 : vector<1x16xf32> to vector<16xf32>
        %get3A_395 = arith.index_cast %scan3A_281 : i32 to index
        %get3A_396 = arith.constant 80 : index
        %get3A_397 = tpu.vector_load %arg15[%get3A_395, %get3A_396] {strides = array<i32>} : memref<40x128xf32, #tpu.memory_space<vmem>>, vector<1x16xf32>,
        %get3A_398 = vector.shape_cast %get3A_397 : vector<1x16xf32> to vector<16xf32>
        %add3A_399 = arith.addf %get3A_394, %get3A_398 : vector<16xf32>
        %get3A_400 = arith.index_cast %scan3A_281 : i32 to index
        %get3A_401 = arith.constant 80 : index
        %get3A_402 = tpu.vector_load %arg17[%get3A_400, %get3A_401] {strides = array<i32>} : memref<40x128xf32, #tpu.memory_space<vmem>>, vector<1x16xf32>,
        %get3A_403 = vector.shape_cast %get3A_402 : vector<1x16xf32> to vector<16xf32>
        %add3A_404 = arith.addf %add3A_399, %get3A_403 : vector<16xf32>
        %max3A_405 = arith.constant 0.000000e+00 : f32
        %max3A_406 = vector.broadcast %max3A_405 : f32 to vector<16xf32>
        %max3A_407 = arith.maximumf %add3A_404, %max3A_406 : vector<16xf32>
        %swap3A_408 = arith.index_cast %scan3A_281 : i32 to index
        %swap3A_409 = arith.constant 80 : index
        %swap3A_410 = tpu.vector_load %arg19[%swap3A_408, %swap3A_409] {strides = array<i32>} : memref<40x128xf32, #tpu.memory_space<vmem>>, vector<1x16xf32>,
        %swap3A_411 = vector.shape_cast %swap3A_410 : vector<1x16xf32> to vector<16xf32>
        %swap3A_412 = vector.shape_cast %max3A_407 : vector<16xf32> to vector<1x16xf32>
        tpu.vector_store %arg19[%swap3A_408, %swap3A_409], %swap3A_412 {strides = array<i32>} : memref<40x128xf32, #tpu.memory_space<vmem>>, vector<1x16xf32>,
        %get3A_413 = arith.index_cast %scan3A_281 : i32 to index
        %get3A_414 = arith.constant 96 : index
        %get3A_415 = tpu.vector_load %arg13[%get3A_413, %get3A_414] {strides = array<i32>} : memref<40x128xf32, #tpu.memory_space<vmem>>, vector<1x16xf32>,
        %get3A_416 = vector.shape_cast %get3A_415 : vector<1x16xf32> to vector<16xf32>
        %get3A_417 = arith.index_cast %scan3A_281 : i32 to index
        %get3A_418 = arith.constant 96 : index
        %get3A_419 = tpu.vector_load %arg15[%get3A_417, %get3A_418] {strides = array<i32>} : memref<40x128xf32, #tpu.memory_space<vmem>>, vector<1x16xf32>,
        %get3A_420 = vector.shape_cast %get3A_419 : vector<1x16xf32> to vector<16xf32>
        %add3A_421 = arith.addf %get3A_416, %get3A_420 : vector<16xf32>
        %get3A_422 = arith.index_cast %scan3A_281 : i32 to index
        %get3A_423 = arith.constant 96 : index
        %get3A_424 = tpu.vector_load %arg17[%get3A_422, %get3A_423] {strides = array<i32>} : memref<40x128xf32, #tpu.memory_space<vmem>>, vector<1x16xf32>,
        %get3A_425 = vector.shape_cast %get3A_424 : vector<1x16xf32> to vector<16xf32>
        %add3A_426 = arith.addf %add3A_421, %get3A_425 : vector<16xf32>
        %max3A_427 = arith.constant 0.000000e+00 : f32
        %max3A_428 = vector.broadcast %max3A_427 : f32 to vector<16xf32>
        %max3A_429 = arith.maximumf %add3A_426, %max3A_428 : vector<16xf32>
        %swap3A_430 = arith.index_cast %scan3A_281 : i32 to index
        %swap3A_431 = arith.constant 96 : index
        %swap3A_432 = tpu.vector_load %arg19[%swap3A_430, %swap3A_431] {strides = array<i32>} : memref<40x128xf32, #tpu.memory_space<vmem>>, vector<1x16xf32>,
        %swap3A_433 = vector.shape_cast %swap3A_432 : vector<1x16xf32> to vector<16xf32>
        %swap3A_434 = vector.shape_cast %max3A_429 : vector<16xf32> to vector<1x16xf32>
        tpu.vector_store %arg19[%swap3A_430, %swap3A_431], %swap3A_434 {strides = array<i32>} : memref<40x128xf32, #tpu.memory_space<vmem>>, vector<1x16xf32>,
        %get3A_435 = arith.index_cast %scan3A_281 : i32 to index
        %get3A_436 = arith.constant 112 : index
        %get3A_437 = tpu.vector_load %arg13[%get3A_435, %get3A_436] {strides = array<i32>} : memref<40x128xf32, #tpu.memory_space<vmem>>, vector<1x16xf32>,
        %get3A_438 = vector.shape_cast %get3A_437 : vector<1x16xf32> to vector<16xf32>
        %get3A_439 = arith.index_cast %scan3A_281 : i32 to index
        %get3A_440 = arith.constant 112 : index
        %get3A_441 = tpu.vector_load %arg15[%get3A_439, %get3A_440] {strides = array<i32>} : memref<40x128xf32, #tpu.memory_space<vmem>>, vector<1x16xf32>,
        %get3A_442 = vector.shape_cast %get3A_441 : vector<1x16xf32> to vector<16xf32>
        %add3A_443 = arith.addf %get3A_438, %get3A_442 : vector<16xf32>
        %get3A_444 = arith.index_cast %scan3A_281 : i32 to index
        %get3A_445 = arith.constant 112 : index
        %get3A_446 = tpu.vector_load %arg17[%get3A_444, %get3A_445] {strides = array<i32>} : memref<40x128xf32, #tpu.memory_space<vmem>>, vector<1x16xf32>,
        %get3A_447 = vector.shape_cast %get3A_446 : vector<1x16xf32> to vector<16xf32>
        %add3A_448 = arith.addf %add3A_443, %get3A_447 : vector<16xf32>
        %max3A_449 = arith.constant 0.000000e+00 : f32
        %max3A_450 = vector.broadcast %max3A_449 : f32 to vector<16xf32>
        %max3A_451 = arith.maximumf %add3A_448, %max3A_450 : vector<16xf32>
        %swap3A_452 = arith.index_cast %scan3A_281 : i32 to index
        %swap3A_453 = arith.constant 112 : index
        %swap3A_454 = tpu.vector_load %arg19[%swap3A_452, %swap3A_453] {strides = array<i32>} : memref<40x128xf32, #tpu.memory_space<vmem>>, vector<1x16xf32>,
        %swap3A_455 = vector.shape_cast %swap3A_454 : vector<1x16xf32> to vector<16xf32>
        %swap3A_456 = vector.shape_cast %max3A_451 : vector<16xf32> to vector<1x16xf32>
        tpu.vector_store %arg19[%swap3A_452, %swap3A_453], %swap3A_456 {strides = array<i32>} : memref<40x128xf32, #tpu.memory_space<vmem>>, vector<1x16xf32>,
      }
      %scan3A_277 = arith.constant 40 : i32
      %dma_start3A_278 = arith.constant 0 : i32
      %dma_start3A_279 = arith.constant 0 : i32
      %dma_start3A_280 = tpu.memref_slice %arg20[%dma_start3A_278, %dma_start3A_279] : memref<10000x128xf32, #tpu.memory_space<vmem_shared>> -> memref<10000x128xf32, #tpu.memory_space<vmem_shared>>
      tpu.enqueue_indirect_dma source(%arg19 : memref<40x128xf32, #tpu.memory_space<vmem>>) target(%dma_start3A_280 : memref<10000x128xf32, #tpu.memory_space<vmem_shared>>) offsets(%arg9 : memref<40xi32, #tpu.memory_space<vmem>>) semaphore(%arg24 : memref<!tpu.dma_semaphore, #tpu.memory_space<semaphore_mem>>) {add = true}
    }
    %scan3A_94 = arith.constant 125 : i32
    %dma_wait3A = arith.constant 0 : i32
    %dma_wait3A_95 = arith.constant 0 : i32
    %dma_wait3A_96 = tpu.memref_slice %arg20[%dma_wait3A, %dma_wait3A_95] : memref<10000x128xf32, #tpu.memory_space<vmem_shared>> -> memref<40x128xf32, #tpu.memory_space<vmem_shared>>
    %dma_wait3A_97 = arith.constant 0 : i32
    %dma_wait3A_98 = arith.constant 0 : i32
    %dma_wait3A_99 = tpu.memref_slice %arg20[%dma_wait3A_97, %dma_wait3A_98] : memref<10000x128xf32, #tpu.memory_space<vmem_shared>> -> memref<40x128xf32, #tpu.memory_space<vmem_shared>>
    tpu.wait_dma2 semaphore(%arg23 : memref<!tpu.dma_semaphore, #tpu.memory_space<semaphore_mem>>) src(%arg18 : memref<40x128xf32, #tpu.memory_space<vmem>>) dst(%dma_wait3A_99 : memref<40x128xf32, #tpu.memory_space<vmem_shared>>)
    %dma_wait3A_100 = arith.constant 0 : i32
    %dma_wait3A_101 = arith.constant 0 : i32
    %dma_wait3A_102 = tpu.memref_slice %arg20[%dma_wait3A_100, %dma_wait3A_101] : memref<10000x128xf32, #tpu.memory_space<vmem_shared>> -> memref<40x128xf32, #tpu.memory_space<vmem_shared>>
    %dma_wait3A_103 = arith.constant 0 : i32
    %dma_wait3A_104 = arith.constant 0 : i32
    %dma_wait3A_105 = tpu.memref_slice %arg20[%dma_wait3A_103, %dma_wait3A_104] : memref<10000x128xf32, #tpu.memory_space<vmem_shared>> -> memref<40x128xf32, #tpu.memory_space<vmem_shared>>
    tpu.wait_dma2 semaphore(%arg24 : memref<!tpu.dma_semaphore, #tpu.memory_space<semaphore_mem>>) src(%arg19 : memref<40x128xf32, #tpu.memory_space<vmem>>) dst(%dma_wait3A_105 : memref<40x128xf32, #tpu.memory_space<vmem_shared>>)
    %barrier3A_106 = arith.constant 0 : index
    tpu.barrier barrier_id(%barrier3A_106)
    %mul3A_107 = arith.constant 624 : i32
    %mul3A_108 = arith.muli %arg1, %mul3A_107 : i32
    %mul3A_109 = arith.constant 624 : i32
    %mul3A_110 = arith.muli %arg1, %mul3A_109 : i32
    "tpu.region"() ({
      %run_scoped3A = tpu.sem_alloc : memref<!tpu.dma_semaphore, #tpu.memory_space<semaphore_mem>>
      %dma_start3A_116 = arith.constant 0 : i32
      %dma_start3A_117 = arith.constant 0 : i32
      %dma_start3A_118 = tpu.memref_slice %arg7[%arg0, %dma_start3A_116, %dma_start3A_117] : memref<2x10000x128xf32, #tpu.memory_space<hbm>> -> memref<1x10000x128xf32, #tpu.memory_space<hbm>>
      %dma_start3A_119 = tpu.memref_squeeze %dma_start3A_118 : memref<1x10000x128xf32, #tpu.memory_space<hbm>> -> memref<10000x128xf32, #tpu.memory_space<hbm>>
      %dma_start3A_120 = arith.constant 0 : i32
      %dma_start3A_121 = tpu.memref_slice %dma_start3A_119[%mul3A_110, %dma_start3A_120] : memref<10000x128xf32, #tpu.memory_space<hbm>> -> memref<624x128xf32, #tpu.memory_space<hbm>>
      %dma_start3A_122 = arith.constant 0 : i32
      %dma_start3A_123 = tpu.memref_slice %arg20[%mul3A_108, %dma_start3A_122] : memref<10000x128xf32, #tpu.memory_space<vmem_shared>> -> memref<624x128xf32, #tpu.memory_space<vmem_shared>>
      tpu.enqueue_dma source(%dma_start3A_123 : memref<624x128xf32, #tpu.memory_space<vmem_shared>>) target(%dma_start3A_121 : memref<624x128xf32, #tpu.memory_space<hbm>>) target_semaphore(%run_scoped3A : memref<!tpu.dma_semaphore, #tpu.memory_space<semaphore_mem>>)
      %dma_wait3A_124 = arith.constant 0 : i32
      %dma_wait3A_125 = arith.constant 0 : i32
      %dma_wait3A_126 = tpu.memref_slice %arg7[%arg0, %dma_wait3A_124, %dma_wait3A_125] : memref<2x10000x128xf32, #tpu.memory_space<hbm>> -> memref<1x10000x128xf32, #tpu.memory_space<hbm>>
      %dma_wait3A_127 = tpu.memref_squeeze %dma_wait3A_126 : memref<1x10000x128xf32, #tpu.memory_space<hbm>> -> memref<10000x128xf32, #tpu.memory_space<hbm>>
      %dma_wait3A_128 = arith.constant 0 : i32
      %dma_wait3A_129 = tpu.memref_slice %dma_wait3A_127[%mul3A_110, %dma_wait3A_128] : memref<10000x128xf32, #tpu.memory_space<hbm>> -> memref<624x128xf32, #tpu.memory_space<hbm>>
      %dma_wait3A_130 = arith.constant 0 : i32
      %dma_wait3A_131 = tpu.memref_slice %arg20[%mul3A_108, %dma_wait3A_130] : memref<10000x128xf32, #tpu.memory_space<vmem_shared>> -> memref<624x128xf32, #tpu.memory_space<vmem_shared>>
      tpu.wait_dma2 semaphore(%run_scoped3A : memref<!tpu.dma_semaphore, #tpu.memory_space<semaphore_mem>>) src(%dma_wait3A_131 : memref<624x128xf32, #tpu.memory_space<vmem_shared>>) dst(%dma_wait3A_129 : memref<624x128xf32, #tpu.memory_space<hbm>>)
      tpu.yield
    }) : () -> ()
    %eq3A_111 = arith.constant 0 : i32
    %eq3A_112 = arith.cmpi eq, %arg1, %eq3A_111 : i32
    %convert_element_type3A_113 = arith.extui %eq3A_112 : i1 to i32
    %cond3A_114 = arith.constant 0 : i32
    %cond3A_115 = arith.cmpi ne, %convert_element_type3A_113, %cond3A_114 : i32
    scf.if %cond3A_115 {
      "tpu.region"() ({
        %run_scoped3A = tpu.sem_alloc : memref<!tpu.dma_semaphore, #tpu.memory_space<semaphore_mem>>
        %dma_start3A_116 = arith.constant 0 : i32
        %dma_start3A_117 = arith.constant 0 : i32
        %dma_start3A_118 = tpu.memref_slice %arg7[%arg0, %dma_start3A_116, %dma_start3A_117] : memref<2x10000x128xf32, #tpu.memory_space<hbm>> -> memref<1x10000x128xf32, #tpu.memory_space<hbm>>
        %dma_start3A_119 = tpu.memref_squeeze %dma_start3A_118 : memref<1x10000x128xf32, #tpu.memory_space<hbm>> -> memref<10000x128xf32, #tpu.memory_space<hbm>>
        %dma_start3A_120 = arith.constant 9984 : i32
        %dma_start3A_121 = arith.constant 0 : i32
        %dma_start3A_122 = tpu.memref_slice %dma_start3A_119[%dma_start3A_120, %dma_start3A_121] : memref<10000x128xf32, #tpu.memory_space<hbm>> -> memref<16x128xf32, #tpu.memory_space<hbm>>
        %dma_start3A_123 = arith.constant 9984 : i32
        %dma_start3A_124 = arith.constant 0 : i32
        %dma_start3A_125 = tpu.memref_slice %arg20[%dma_start3A_123, %dma_start3A_124] : memref<10000x128xf32, #tpu.memory_space<vmem_shared>> -> memref<16x128xf32, #tpu.memory_space<vmem_shared>>
        tpu.enqueue_dma source(%dma_start3A_125 : memref<16x128xf32, #tpu.memory_space<vmem_shared>>) target(%dma_start3A_122 : memref<16x128xf32, #tpu.memory_space<hbm>>) target_semaphore(%run_scoped3A : memref<!tpu.dma_semaphore, #tpu.memory_space<semaphore_mem>>)
        %dma_wait3A_126 = arith.constant 0 : i32
        %dma_wait3A_127 = arith.constant 0 : i32
        %dma_wait3A_128 = tpu.memref_slice %arg7[%arg0, %dma_wait3A_126, %dma_wait3A_127] : memref<2x10000x128xf32, #tpu.memory_space<hbm>> -> memref<1x10000x128xf32, #tpu.memory_space<hbm>>
        %dma_wait3A_129 = tpu.memref_squeeze %dma_wait3A_128 : memref<1x10000x128xf32, #tpu.memory_space<hbm>> -> memref<10000x128xf32, #tpu.memory_space<hbm>>
        %dma_wait3A_130 = arith.constant 9984 : i32
        %dma_wait3A_131 = arith.constant 0 : i32
        %dma_wait3A_132 = tpu.memref_slice %dma_wait3A_129[%dma_wait3A_130, %dma_wait3A_131] : memref<10000x128xf32, #tpu.memory_space<hbm>> -> memref<16x128xf32, #tpu.memory_space<hbm>>
        %dma_wait3A_133 = arith.constant 9984 : i32
        %dma_wait3A_134 = arith.constant 0 : i32
        %dma_wait3A_135 = tpu.memref_slice %arg20[%dma_wait3A_133, %dma_wait3A_134] : memref<10000x128xf32, #tpu.memory_space<vmem_shared>> -> memref<16x128xf32, #tpu.memory_space<vmem_shared>>
        tpu.wait_dma2 semaphore(%run_scoped3A : memref<!tpu.dma_semaphore, #tpu.memory_space<semaphore_mem>>) src(%dma_wait3A_135 : memref<16x128xf32, #tpu.memory_space<vmem_shared>>) dst(%dma_wait3A_132 : memref<16x128xf32, #tpu.memory_space<hbm>>)
        tpu.yield
      }) : () -> ()
    } else {
    }
    return
  }
}

module attributes {stable_mosaic.version = 14 : i64} {
  func.func @_ab_body(%arg0: i32, %arg1: memref<2000x128xf32, #tpu.memory_space<vmem>>, %arg2: memref<128x128xf32, #tpu.memory_space<vmem>>, %arg3: memref<128x128xf32, #tpu.memory_space<vmem>>, %arg4: memref<2000x128xf32, #tpu.memory_space<vmem>>, %arg5: memref<2000x128xf32, #tpu.memory_space<vmem>>) attributes {dimension_semantics = [#tpu.dimension_semantics<arbitrary>], iteration_bounds = array<i64: 5>, scalar_prefetch = 0 : i64, scratch_operands = 0 : i64, tpu.core_type = #tpu.core_type<tc>, window_params = [{transform_indices = @transform_0, window_bounds = array<i64: 2000, 128>}, {pipeline_mode = #tpu.pipeline_mode<synchronous>, transform_indices = @transform_1, window_bounds = array<i64: 128, 128>}, {pipeline_mode = #tpu.pipeline_mode<synchronous>, transform_indices = @transform_2, window_bounds = array<i64: 128, 128>}, {transform_indices = @transform_3, window_bounds = array<i64: 2000, 128>}, {transform_indices = @transform_4, window_bounds = array<i64: 2000, 128>}]} {
    %get3A = arith.constant 0 : index
    %get3A_0 = arith.constant 0 : index
    %get3A_1 = vector.load %arg1[%get3A, %get3A_0] : memref<2000x128xf32, #tpu.memory_space<vmem>>, vector<2000x128xf32>
    %get3A_2 = arith.constant 0 : index
    %get3A_3 = arith.constant 0 : index
    %get3A_4 = vector.load %arg2[%get3A_2, %get3A_3] : memref<128x128xf32, #tpu.memory_space<vmem>>, vector<128x128xf32>
    %dot_general3A = arith.constant dense<0.000000e+00> : vector<2000x128xf32>
    %dot_general3A_5 = tpu.matmul %get3A_1, %get3A_4, %dot_general3A {dimension_numbers = #tpu.dot_dimension_numbers<[1], [0], [0], [1], [0, 0, 1, 1], [], []>, transpose_lhs_hint = false} : vector<2000x128xf32>, vector<128x128xf32>, vector<2000x128xf32> -> vector<2000x128xf32>
    %swap3A = arith.constant 0 : index
    %swap3A_6 = arith.constant 0 : index
    %swap3A_7 = vector.load %arg4[%swap3A, %swap3A_6] : memref<2000x128xf32, #tpu.memory_space<vmem>>, vector<2000x128xf32>
    tpu.vector_store %arg4[%swap3A, %swap3A_6], %dot_general3A_5 {strides = array<i32>} : memref<2000x128xf32, #tpu.memory_space<vmem>>, vector<2000x128xf32>,
    %get3A_8 = arith.constant 0 : index
    %get3A_9 = arith.constant 0 : index
    %get3A_10 = vector.load %arg3[%get3A_8, %get3A_9] : memref<128x128xf32, #tpu.memory_space<vmem>>, vector<128x128xf32>
    %dot_general3A_11 = arith.constant dense<0.000000e+00> : vector<2000x128xf32>
    %dot_general3A_12 = tpu.matmul %get3A_1, %get3A_10, %dot_general3A_11 {dimension_numbers = #tpu.dot_dimension_numbers<[1], [0], [0], [1], [0, 0, 1, 1], [], []>, transpose_lhs_hint = false} : vector<2000x128xf32>, vector<128x128xf32>, vector<2000x128xf32> -> vector<2000x128xf32>
    %swap3A_13 = arith.constant 0 : index
    %swap3A_14 = arith.constant 0 : index
    %swap3A_15 = vector.load %arg5[%swap3A_13, %swap3A_14] : memref<2000x128xf32, #tpu.memory_space<vmem>>, vector<2000x128xf32>
    tpu.vector_store %arg5[%swap3A_13, %swap3A_14], %dot_general3A_12 {strides = array<i32>} : memref<2000x128xf32, #tpu.memory_space<vmem>>, vector<2000x128xf32>,
    return
  }
  func.func @transform_0(%arg0: i32) -> (i32, i32) {
    %c0_i32 = arith.constant 0 : i32
    %c0_i32_0 = arith.constant 0 : i32
    return %arg0, %c0_i32 : i32, i32
  }
  func.func @transform_1(%arg0: i32) -> (i32, i32) {
    %c0_i32 = arith.constant 0 : i32
    %c0_i32_0 = arith.constant 0 : i32
    %c0_i32_1 = arith.constant 0 : i32
    return %c0_i32, %c0_i32_0 : i32, i32
  }
  func.func @transform_2(%arg0: i32) -> (i32, i32) {
    %c0_i32 = arith.constant 0 : i32
    %c0_i32_0 = arith.constant 0 : i32
    %c0_i32_1 = arith.constant 0 : i32
    return %c0_i32, %c0_i32_0 : i32, i32
  }
  func.func @transform_3(%arg0: i32) -> (i32, i32) {
    %c0_i32 = arith.constant 0 : i32
    %c0_i32_0 = arith.constant 0 : i32
    return %arg0, %c0_i32 : i32, i32
  }
  func.func @transform_4(%arg0: i32) -> (i32, i32) {
    %c0_i32 = arith.constant 0 : i32
    %c0_i32_0 = arith.constant 0 : i32
    return %arg0, %c0_i32 : i32, i32
  }
}

module attributes {stable_mosaic.version = 14 : i64} {
  func.func @_c_body(%arg0: i32, %arg1: memref<4000x16xf32, #tpu.memory_space<vmem>>, %arg2: memref<16x128xf32, #tpu.memory_space<vmem>>, %arg3: memref<1x128xf32, #tpu.memory_space<vmem>>, %arg4: memref<4000x128xf32, #tpu.memory_space<vmem>>) attributes {dimension_semantics = [#tpu.dimension_semantics<arbitrary>], iteration_bounds = array<i64: 80>, scalar_prefetch = 0 : i64, scratch_operands = 0 : i64, tpu.core_type = #tpu.core_type<tc>, window_params = [{transform_indices = @transform_0, window_bounds = array<i64: 4000, 16>}, {pipeline_mode = #tpu.pipeline_mode<synchronous>, transform_indices = @transform_1, window_bounds = array<i64: 16, 128>}, {pipeline_mode = #tpu.pipeline_mode<synchronous>, transform_indices = @transform_2, window_bounds = array<i64: 1, 128>}, {transform_indices = @transform_3, window_bounds = array<i64: 4000, 128>}]} {
    %get3A = arith.constant 0 : index
    %get3A_0 = arith.constant 0 : index
    %get3A_1 = vector.load %arg1[%get3A, %get3A_0] : memref<4000x16xf32, #tpu.memory_space<vmem>>, vector<4000x16xf32>
    %get3A_2 = arith.constant 0 : index
    %get3A_3 = arith.constant 0 : index
    %get3A_4 = vector.load %arg2[%get3A_2, %get3A_3] : memref<16x128xf32, #tpu.memory_space<vmem>>, vector<16x128xf32>
    %dot_general3A = arith.constant dense<0.000000e+00> : vector<4000x128xf32>
    %dot_general3A_5 = tpu.matmul %get3A_1, %get3A_4, %dot_general3A {dimension_numbers = #tpu.dot_dimension_numbers<[1], [0], [0], [1], [0, 0, 1, 1], [], []>, transpose_lhs_hint = false} : vector<4000x16xf32>, vector<16x128xf32>, vector<4000x128xf32> -> vector<4000x128xf32>
    %get3A_6 = arith.constant 0 : index
    %get3A_7 = arith.constant 0 : index
    %get3A_8 = vector.load %arg3[%get3A_6, %get3A_7] : memref<1x128xf32, #tpu.memory_space<vmem>>, vector<1x128xf32>
    %add3A = vector.broadcast %get3A_8 : vector<1x128xf32> to vector<4000x128xf32>
    %add3A_9 = arith.addf %dot_general3A_5, %add3A : vector<4000x128xf32>
    %swap3A = arith.constant 0 : index
    %swap3A_10 = arith.constant 0 : index
    %swap3A_11 = vector.load %arg4[%swap3A, %swap3A_10] : memref<4000x128xf32, #tpu.memory_space<vmem>>, vector<4000x128xf32>
    tpu.vector_store %arg4[%swap3A, %swap3A_10], %add3A_9 {strides = array<i32>} : memref<4000x128xf32, #tpu.memory_space<vmem>>, vector<4000x128xf32>,
    return
  }
  func.func @transform_0(%arg0: i32) -> (i32, i32) {
    %c0_i32 = arith.constant 0 : i32
    %c0_i32_0 = arith.constant 0 : i32
    return %arg0, %c0_i32 : i32, i32
  }
  func.func @transform_1(%arg0: i32) -> (i32, i32) {
    %c0_i32 = arith.constant 0 : i32
    %c0_i32_0 = arith.constant 0 : i32
    %c0_i32_1 = arith.constant 0 : i32
    return %c0_i32, %c0_i32_0 : i32, i32
  }
  func.func @transform_2(%arg0: i32) -> (i32, i32) {
    %c0_i32 = arith.constant 0 : i32
    %c0_i32_0 = arith.constant 0 : i32
    %c0_i32_1 = arith.constant 0 : i32
    return %c0_i32, %c0_i32_0 : i32, i32
  }
  func.func @transform_3(%arg0: i32) -> (i32, i32) {
    %c0_i32 = arith.constant 0 : i32
    %c0_i32_0 = arith.constant 0 : i32
    return %arg0, %c0_i32 : i32, i32
  }
}

module attributes {stable_mosaic.version = 14 : i64} {
  func.func @_node_body(%arg0: i32, %arg1: memref<2000x128xf32, #tpu.memory_space<vmem>>, %arg2: memref<2000x128xf32, #tpu.memory_space<vmem>>, %arg3: memref<2000x128xf32, #tpu.memory_space<vmem>>, %arg4: memref<1x1x2000xi32, #tpu.memory_space<vmem>>, %arg5: memref<128x128xf32, #tpu.memory_space<vmem>>, %arg6: memref<128x128xf32, #tpu.memory_space<vmem>>, %arg7: memref<1x128xf32, #tpu.memory_space<vmem>>, %arg8: memref<256x5xf32, #tpu.memory_space<vmem>>, %arg9: memref<1x5xf32, #tpu.memory_space<vmem>>, %arg10: memref<2000x128xf32, #tpu.memory_space<vmem>>, %arg11: memref<16x4xf32, #tpu.memory_space<vmem>>, %arg12: memref<16x5xf32, #tpu.memory_space<vmem>>) attributes {dimension_semantics = [#tpu.dimension_semantics<arbitrary>], iteration_bounds = array<i64: 5>, scalar_prefetch = 0 : i64, scratch_operands = 1 : i64, tpu.core_type = #tpu.core_type<tc>, window_params = [{transform_indices = @transform_0, window_bounds = array<i64: 2000, 128>}, {transform_indices = @transform_1, window_bounds = array<i64: 2000, 128>}, {transform_indices = @transform_2, window_bounds = array<i64: 2000, 128>}, {transform_indices = @transform_3, window_bounds = array<i64: 1, 1, 2000>}, {pipeline_mode = #tpu.pipeline_mode<synchronous>, transform_indices = @transform_4, window_bounds = array<i64: 128, 128>}, {pipeline_mode = #tpu.pipeline_mode<synchronous>, transform_indices = @transform_5, window_bounds = array<i64: 128, 128>}, {pipeline_mode = #tpu.pipeline_mode<synchronous>, transform_indices = @transform_6, window_bounds = array<i64: 1, 128>}, {pipeline_mode = #tpu.pipeline_mode<synchronous>, transform_indices = @transform_7, window_bounds = array<i64: 256, 5>}, {pipeline_mode = #tpu.pipeline_mode<synchronous>, transform_indices = @transform_8, window_bounds = array<i64: 1, 5>}, {transform_indices = @transform_9, window_bounds = array<i64: 2000, 128>}, {pipeline_mode = #tpu.pipeline_mode<synchronous>, transform_indices = @transform_10, window_bounds = array<i64: 16, 4>}]} {
    %get3A = arith.constant 0 : index
    %get3A_0 = arith.constant 0 : index
    %get3A_1 = vector.load %arg1[%get3A, %get3A_0] : memref<2000x128xf32, #tpu.memory_space<vmem>>, vector<2000x128xf32>
    %get3A_2 = arith.constant 0 : index
    %get3A_3 = arith.constant 0 : index
    %get3A_4 = vector.load %arg2[%get3A_2, %get3A_3] : memref<2000x128xf32, #tpu.memory_space<vmem>>, vector<2000x128xf32>
    %get3A_5 = arith.constant 0 : index
    %get3A_6 = arith.constant 0 : index
    %get3A_7 = vector.load %arg3[%get3A_5, %get3A_6] : memref<2000x128xf32, #tpu.memory_space<vmem>>, vector<2000x128xf32>
    %add3A = arith.addf %get3A_4, %get3A_7 : vector<2000x128xf32>
    %get3A_8 = arith.constant 0 : index
    %get3A_9 = arith.constant 0 : index
    %get3A_10 = vector.load %arg5[%get3A_8, %get3A_9] : memref<128x128xf32, #tpu.memory_space<vmem>>, vector<128x128xf32>
    %dot_general3A = arith.constant dense<0.000000e+00> : vector<2000x128xf32>
    %dot_general3A_11 = tpu.matmul %get3A_1, %get3A_10, %dot_general3A {dimension_numbers = #tpu.dot_dimension_numbers<[1], [0], [0], [1], [0, 0, 1, 1], [], []>, transpose_lhs_hint = false} : vector<2000x128xf32>, vector<128x128xf32>, vector<2000x128xf32> -> vector<2000x128xf32>
    %get3A_12 = arith.constant 0 : index
    %get3A_13 = arith.constant 0 : index
    %get3A_14 = vector.load %arg6[%get3A_12, %get3A_13] : memref<128x128xf32, #tpu.memory_space<vmem>>, vector<128x128xf32>
    %dot_general3A_15 = arith.constant dense<0.000000e+00> : vector<2000x128xf32>
    %dot_general3A_16 = tpu.matmul %add3A, %get3A_14, %dot_general3A_15 {dimension_numbers = #tpu.dot_dimension_numbers<[1], [0], [0], [1], [0, 0, 1, 1], [], []>, transpose_lhs_hint = false} : vector<2000x128xf32>, vector<128x128xf32>, vector<2000x128xf32> -> vector<2000x128xf32>
    %add3A_17 = arith.addf %dot_general3A_11, %dot_general3A_16 : vector<2000x128xf32>
    %get3A_18 = arith.constant 0 : index
    %get3A_19 = arith.constant 0 : index
    %get3A_20 = vector.load %arg7[%get3A_18, %get3A_19] : memref<1x128xf32, #tpu.memory_space<vmem>>, vector<1x128xf32>
    %add3A_21 = vector.broadcast %get3A_20 : vector<1x128xf32> to vector<2000x128xf32>
    %add3A_22 = arith.addf %add3A_17, %add3A_21 : vector<2000x128xf32>
    %swap3A = arith.constant 0 : index
    %swap3A_23 = arith.constant 0 : index
    %swap3A_24 = vector.load %arg10[%swap3A, %swap3A_23] : memref<2000x128xf32, #tpu.memory_space<vmem>>, vector<2000x128xf32>
    tpu.vector_store %arg10[%swap3A, %swap3A_23], %add3A_22 {strides = array<i32>} : memref<2000x128xf32, #tpu.memory_space<vmem>>, vector<2000x128xf32>,
    %get3A_25 = arith.constant 0 : index
    %get3A_26 = arith.constant 0 : index
    %get3A_27 = vector.load %arg8[%get3A_25, %get3A_26] : memref<256x5xf32, #tpu.memory_space<vmem>>, vector<128x5xf32>
    %dot_general3A_28 = arith.constant dense<0.000000e+00> : vector<2000x5xf32>
    %dot_general3A_29 = tpu.matmul %get3A_1, %get3A_27, %dot_general3A_28 {dimension_numbers = #tpu.dot_dimension_numbers<[1], [0], [0], [1], [0, 0, 1, 1], [], []>, transpose_lhs_hint = false} : vector<2000x128xf32>, vector<128x5xf32>, vector<2000x5xf32> -> vector<2000x5xf32>
    %get3A_30 = arith.constant 128 : index
    %get3A_31 = arith.constant 0 : index
    %get3A_32 = vector.load %arg8[%get3A_30, %get3A_31] : memref<256x5xf32, #tpu.memory_space<vmem>>, vector<128x5xf32>
    %dot_general3A_33 = arith.constant dense<0.000000e+00> : vector<2000x5xf32>
    %dot_general3A_34 = tpu.matmul %add3A, %get3A_32, %dot_general3A_33 {dimension_numbers = #tpu.dot_dimension_numbers<[1], [0], [0], [1], [0, 0, 1, 1], [], []>, transpose_lhs_hint = false} : vector<2000x128xf32>, vector<128x5xf32>, vector<2000x5xf32> -> vector<2000x5xf32>
    %add3A_35 = arith.addf %dot_general3A_29, %dot_general3A_34 : vector<2000x5xf32>
    %get3A_36 = arith.constant 0 : index
    %get3A_37 = arith.constant 0 : index
    %get3A_38 = vector.load %arg9[%get3A_36, %get3A_37] : memref<1x5xf32, #tpu.memory_space<vmem>>, vector<1x5xf32>
    %add3A_39 = vector.broadcast %get3A_38 : vector<1x5xf32> to vector<2000x5xf32>
    %add3A_40 = arith.addf %add3A_35, %add3A_39 : vector<2000x5xf32>
    %get3A_41 = arith.constant 0 : index
    %get3A_42 = arith.constant 0 : index
    %get3A_43 = arith.constant 0 : index
    %get3A_44 = vector.load %arg4[%get3A_41, %get3A_42, %get3A_43] : memref<1x1x2000xi32, #tpu.memory_space<vmem>>, vector<1x1x2000xi32>
    %get3A_45 = vector.shape_cast %get3A_44 : vector<1x1x2000xi32> to vector<2000xi32>
    %broadcast_in_dim3A = vector.shape_cast %get3A_45 : vector<2000xi32> to vector<2000x1xi32>
    %iota3A = tpu.iota {dimensions = array<i32: 1>} : vector<1x16xi32>
    %eq3A = vector.broadcast %broadcast_in_dim3A : vector<2000x1xi32> to vector<2000x16xi32>
    %eq3A_46 = vector.broadcast %iota3A : vector<1x16xi32> to vector<2000x16xi32>
    %eq3A_47 = arith.cmpi eq, %eq3A, %eq3A_46 : vector<2000x16xi32>
    %convert_element_type3A = arith.extui %eq3A_47 : vector<2000x16xi1> to vector<2000x16xi32>
    %convert_element_type3A_48 = arith.sitofp %convert_element_type3A : vector<2000x16xi32> to vector<2000x16xf32>
    %dot_general3A_49 = arith.constant dense<0.000000e+00> : vector<16x5xf32>
    %dot_general3A_50 = tpu.matmul %convert_element_type3A_48, %add3A_40, %dot_general3A_49 {dimension_numbers = #tpu.dot_dimension_numbers<[0], [0], [1], [1], [0, 1, 1, 1], [], []>, transpose_lhs_hint = false} : vector<2000x16xf32>, vector<2000x5xf32>, vector<16x5xf32> -> vector<16x5xf32>
    %eq3A_51 = arith.constant 0 : i32
    %eq3A_52 = arith.cmpi eq, %arg0, %eq3A_51 : i32
    %convert_element_type3A_53 = arith.extui %eq3A_52 : i1 to i32
    %cond3A = arith.constant 0 : i32
    %cond3A_54 = arith.cmpi ne, %convert_element_type3A_53, %cond3A : i32
    scf.if %cond3A_54 {
      %swap3A_64 = arith.constant 0 : index
      %swap3A_65 = arith.constant 0 : index
      %swap3A_66 = vector.load %arg12[%swap3A_64, %swap3A_65] : memref<16x5xf32, #tpu.memory_space<vmem>>, vector<16x5xf32>
      tpu.vector_store %arg12[%swap3A_64, %swap3A_65], %dot_general3A_50 {strides = array<i32>} : memref<16x5xf32, #tpu.memory_space<vmem>>, vector<16x5xf32>,
    } else {
    }
    %gt3A = arith.constant 0 : i32
    %gt3A_55 = arith.cmpi sgt, %arg0, %gt3A : i32
    %convert_element_type3A_56 = arith.extui %gt3A_55 : i1 to i32
    %cond3A_57 = arith.constant 0 : i32
    %cond3A_58 = arith.cmpi ne, %convert_element_type3A_56, %cond3A_57 : i32
    scf.if %cond3A_58 {
      %get3A_64 = arith.constant 0 : index
      %get3A_65 = arith.constant 0 : index
      %get3A_66 = vector.load %arg12[%get3A_64, %get3A_65] : memref<16x5xf32, #tpu.memory_space<vmem>>, vector<16x5xf32>
      %add3A_67 = arith.addf %get3A_66, %dot_general3A_50 : vector<16x5xf32>
      %swap3A_68 = arith.constant 0 : index
      %swap3A_69 = arith.constant 0 : index
      %swap3A_70 = vector.load %arg12[%swap3A_68, %swap3A_69] : memref<16x5xf32, #tpu.memory_space<vmem>>, vector<16x5xf32>
      tpu.vector_store %arg12[%swap3A_68, %swap3A_69], %add3A_67 {strides = array<i32>} : memref<16x5xf32, #tpu.memory_space<vmem>>, vector<16x5xf32>,
    } else {
    }
    %eq3A_59 = arith.constant 4 : i32
    %eq3A_60 = arith.cmpi eq, %arg0, %eq3A_59 : i32
    %convert_element_type3A_61 = arith.extui %eq3A_60 : i1 to i32
    %cond3A_62 = arith.constant 0 : i32
    %cond3A_63 = arith.cmpi ne, %convert_element_type3A_61, %cond3A_62 : i32
    scf.if %cond3A_63 {
      %get3A_64 = arith.constant 0 : index
      %get3A_65 = arith.constant 0 : index
      %get3A_66 = vector.load %arg12[%get3A_64, %get3A_65] : memref<16x5xf32, #tpu.memory_space<vmem>>, vector<16x5xf32>
      %slice3A = vector.extract_strided_slice %get3A_66 {offsets = [0, 0], sizes = [16, 4], strides = [1, 1]} : vector<16x5xf32> to vector<16x4xf32>
      %slice3A_67 = vector.extract_strided_slice %get3A_66 {offsets = [0, 4], sizes = [16, 1], strides = [1, 1]} : vector<16x5xf32> to vector<16x1xf32>
      %max3A = arith.constant 1.000000e+00 : f32
      %max3A_68 = vector.broadcast %max3A : f32 to vector<16x1xf32>
      %max3A_69 = arith.maximumf %slice3A_67, %max3A_68 : vector<16x1xf32>
      %div3A = vector.broadcast %max3A_69 : vector<16x1xf32> to vector<16x4xf32>
      %div3A_70 = arith.divf %slice3A, %div3A : vector<16x4xf32>
      %swap3A_71 = arith.constant 0 : index
      %swap3A_72 = arith.constant 0 : index
      %swap3A_73 = vector.load %arg11[%swap3A_71, %swap3A_72] : memref<16x4xf32, #tpu.memory_space<vmem>>, vector<16x4xf32>
      tpu.vector_store %arg11[%swap3A_71, %swap3A_72], %div3A_70 {strides = array<i32>} : memref<16x4xf32, #tpu.memory_space<vmem>>, vector<16x4xf32>,
    } else {
    }
    return
  }
  func.func @transform_0(%arg0: i32) -> (i32, i32) {
    %c0_i32 = arith.constant 0 : i32
    %c0_i32_0 = arith.constant 0 : i32
    return %arg0, %c0_i32 : i32, i32
  }
  func.func @transform_1(%arg0: i32) -> (i32, i32) {
    %c0_i32 = arith.constant 0 : i32
    %c0_i32_0 = arith.constant 0 : i32
    return %arg0, %c0_i32 : i32, i32
  }
  func.func @transform_2(%arg0: i32) -> (i32, i32) {
    %c0_i32 = arith.constant 0 : i32
    %c0_i32_0 = arith.constant 0 : i32
    return %arg0, %c0_i32 : i32, i32
  }
  func.func @transform_3(%arg0: i32) -> (i32, i32, i32) {
    %c0_i32 = arith.constant 0 : i32
    %c0_i32_0 = arith.constant 0 : i32
    %c0_i32_1 = arith.constant 0 : i32
    return %arg0, %c0_i32, %c0_i32_0 : i32, i32, i32
  }
  func.func @transform_4(%arg0: i32) -> (i32, i32) {
    %c0_i32 = arith.constant 0 : i32
    %c0_i32_0 = arith.constant 0 : i32
    %c0_i32_1 = arith.constant 0 : i32
    return %c0_i32, %c0_i32_0 : i32, i32
  }
  func.func @transform_5(%arg0: i32) -> (i32, i32) {
    %c0_i32 = arith.constant 0 : i32
    %c0_i32_0 = arith.constant 0 : i32
    %c0_i32_1 = arith.constant 0 : i32
    return %c0_i32, %c0_i32_0 : i32, i32
  }
  func.func @transform_6(%arg0: i32) -> (i32, i32) {
    %c0_i32 = arith.constant 0 : i32
    %c0_i32_0 = arith.constant 0 : i32
    %c0_i32_1 = arith.constant 0 : i32
    return %c0_i32, %c0_i32_0 : i32, i32
  }
  func.func @transform_7(%arg0: i32) -> (i32, i32) {
    %c0_i32 = arith.constant 0 : i32
    %c0_i32_0 = arith.constant 0 : i32
    %c0_i32_1 = arith.constant 0 : i32
    return %c0_i32, %c0_i32_0 : i32, i32
  }
  func.func @transform_8(%arg0: i32) -> (i32, i32) {
    %c0_i32 = arith.constant 0 : i32
    %c0_i32_0 = arith.constant 0 : i32
    %c0_i32_1 = arith.constant 0 : i32
    return %c0_i32, %c0_i32_0 : i32, i32
  }
  func.func @transform_9(%arg0: i32) -> (i32, i32) {
    %c0_i32 = arith.constant 0 : i32
    %c0_i32_0 = arith.constant 0 : i32
    return %arg0, %c0_i32 : i32, i32
  }
  func.func @transform_10(%arg0: i32) -> (i32, i32) {
    %c0_i32 = arith.constant 0 : i32
    %c0_i32_0 = arith.constant 0 : i32
    %c0_i32_1 = arith.constant 0 : i32
    return %c0_i32, %c0_i32_0 : i32, i32
  }
}

</mosaic_0001>

<sc_bundles>
// kernel: kernel.6.cloned.1.call-start
scs
__scs_entry_jumppad:
0x0: {  	(pc) =	sbr.rel $0x88, $3  }
0x1: {  	(tag) =	ssettag $0x0;
	lr =	simm.s32 $0x1  }
0x2: {  	[smem:$0x3F99] =	sst lr;
	_ =	strace $0xD0000000  }
0x3: {  	_ = 	snop  }
0x4: {  	_ = 	snop  }
0x5: {  	_ = 	snop  }
0x6: {  	_ = 	snop  }
0x7: {  	_ = 	snop  }
__scs_overlays_trampoline_lowered:
0x8: {  	[smem:$0x3FA8] =	sst s0  }
0x9: {  	[smem:$0x3FA9] =	sst s1  }
0xa: {  	[smem:$0x3FAA] =	sst s2  }
0xb: {  	[smem:$0x3FAB] =	sst s3  }
0xc: {  	[smem:$0x3FAC] =	sst s4  }
0xd: {  	[smem:$0x3FAD] =	sst s5  }
0xe: {  	[smem:$0x3FAE] =	sst s6  }
0xf: {  	[smem:$0x3FAF] =	sst s7  }
0x10: {  	[smem:$0x3FB0] =	sst s8  }
0x11: {  	[smem:$0x3FB1] =	sst s9;
	s0 =	simm.s32 @!p0 $0x0  }
0x12: {  	s1 =	sld [smem:$0x3F97];
	s0 =	simm.s32 @p0 $0x1  }
0x13: {  	[smem:$0x3FB2] =	sst s0;
	s0 =	simm.s32 @!p1 $0x0  }
0x14: {  	s2 =	sld [smem:$0x3F96];
	s0 =	simm.s32 @p1 $0x1  }
0x15: {  	[smem:$0x3FB3] =	sst s0;
	s0 =	simm.s32 @!p2 $0x0  }
0x16: {  	s3 =	sld [smem:$0x3FDB];
	s0 =	simm.s32 @p2 $0x1  }
0x17: {  	s4 =	simm.s32 $0x1BF5;
	[smem:$0x3FB5] =	sst s0  }
0x18: {  	s0 =	sld [smem:$0x3F98];
	_ =	swait.ge [sflag:s4], $0x0  }
0x19: {  	s7 =	sld [smem:$0x3F99]  }
0x1a: {  	s8 =	sadd.s32 $0xFFFFE003, lr  }
0x1b: {  	s9 =	sadd.s32 $0xFFFFFEF7, lr;
	s5 =	simm.s32 $0xFFFFFFFF;
	p2 =	slt.u32 s8, $0xFFFFF086  }
0x1c: {  	p1 =	slt.u32 s9, $0xF7A;
	s5 =	simm.s32 @!p2 $0x0  }
0x1d: {  	s5 =	simm.s32 @p1 $0x1;
	p0 =	seq.s32 s7, s2  }
0x1e: {  	s7 =	smul.u32 @!p0 $0xF7A, s2;
	p2 =	seq.s32 @!p0 s5, $0x0  }
0x1f: {  	s9 =	smul.u32 $0xF7A, s1;
	s8 =	simm.s32 @!p0 $0x1BF5;
	p2 =	por !p2, p0  }
0x20: {  	[sflag:s8] =	ssyncset.s32 @!p0 $0xFFFFF086;
	s6 =	sadd.s32 @!p0 s3, s7;
	s7 =	simm.s32 @!p0 $0x108  }
0x21: {  	s3 =	sadd.s32 s3, s9;
	s6 =	sadd.s32 @!p0 $0x88, s6;
	s7 =	simm.s32 @p2 $0x1082  }
0x22: {  	[simem:s7], [sflag:s8] =	dma.local @!p0 [hbm:s6], $0xF7A  }
0x23: {  	s9 =	sor.u32 $0xD0000000, s2;
	s6 =	simm.s32 $0x108;
	_ =	swait.ge @!p0 [sflag:s8], $0x0  }
0x24: {  	s3 =	sadd.s32 $0x88, s3;
	s6 =	simm.s32 @!p1 $0x1082;
	[sflag:s4] =	ssyncset.s32 $0xFFFFF086  }
0x25: {  	[simem:s6], [sflag:s4] =	dma.local [hbm:s3], $0xF7A  }
0x26: {  	[smem:$0x3F99] =	sst s1;
	(tag) =	ssettag s2;
	_ =	strace s9  }
0x27: {  	s1 =	sld [smem:$0x3FA9]  }
0x28: {  	s2 =	sld [smem:$0x3FAA]  }
0x29: {  	s4 =	sld [smem:$0x3FAC]  }
0x2a: {  	p0 =	seq.s32 s5, $0x0;
	s5 =	sld [smem:$0x3FAD]  }
0x2b: {  	s6 =	sld [smem:$0x3FAE]  }
0x2c: {  	s7 =	sld [smem:$0x3FAF]  }
0x2d: {  	s3 =	simm.s32 $0x108;
	s8 =	sld [smem:$0x3FB0]  }
0x2e: {  	s3 =	simm.s32 @!p0 $0x1082;
	s9 =	sld [smem:$0x3FB1]  }
0x2f: {  	lr =	sadd.s32 s0, s3;
	s0 =	sld [smem:$0x3FA8]  }
0x30: {  	s3 =	sld [smem:$0x3FAB]  }
0x31: {  	[smem:$0x3FB4] =	sst s10  }
0x32: {  	s10 =	sld [smem:$0x3FB2];
	_ =	sdelay $0x3  }
0x33: {  	p0 =	seq.s32 s10, $0x1;
	s10 =	sld [smem:$0x3FB4];
	_ =	sdelay $0x3  }
0x34: {  	[smem:$0x3FB4] =	sst s10  }
0x35: {  	s10 =	sld [smem:$0x3FB3];
	_ =	sdelay $0x3  }
0x36: {  	p1 =	seq.s32 s10, $0x1;
	s10 =	sld [smem:$0x3FB4];
	_ =	sdelay $0x3  }
0x37: {  	[smem:$0x3FB4] =	sst s10  }
0x38: {  	s10 =	sld [smem:$0x3FB5]  }
0x39: {  	_ = 	snop;
	(pc) =	sbr.ind lr, $3  }
0x3a: {  	_ = 	snop  }
0x3b: {  	_ = 	snop  }
0x3c: {  	p2 =	seq.s32 s10, $0x1;
	s10 =	sld [smem:$0x3FB4]  }
0x3d: {  	_ =	shalt  }
0x3e: {  	_ =	shalt  }
0x3f: {  	_ =	shalt  }
0x40: {  	_ =	shalt  }
0x41: {  	_ =	shalt  }
0x42: {  	_ =	shalt  }
0x43: {  	_ =	shalt  }
0x44: {  	_ =	shalt  }
0x45: {  	_ =	shalt  }
0x46: {  	_ =	shalt  }
0x47: {  	_ =	shalt  }
0x48: {  	_ =	shalt  }
0x49: {  	_ =	shalt  }
0x4a: {  	_ =	shalt  }
0x4b: {  	_ =	shalt  }
0x4c: {  	_ =	shalt  }
0x4d: {  	_ =	shalt  }
0x4e: {  	_ =	shalt  }
0x4f: {  	_ =	shalt  }
0x50: {  	_ =	shalt  }
0x51: {  	_ =	shalt  }
0x52: {  	_ =	shalt  }
0x53: {  	_ =	shalt  }
0x54: {  	_ =	shalt  }
0x55: {  	_ =	shalt  }
0x56: {  	_ =	shalt  }
0x57: {  	_ =	shalt  }
0x58: {  	_ =	shalt  }
0x59: {  	_ =	shalt  }
0x5a: {  	_ =	shalt  }
0x5b: {  	_ =	shalt  }
0x5c: {  	_ =	shalt  }
0x5d: {  	_ =	shalt  }
0x5e: {  	_ =	shalt  }
0x5f: {  	_ =	shalt  }
0x60: {  	_ =	shalt  }
0x61: {  	_ =	shalt  }
0x62: {  	_ =	shalt  }
0x63: {  	_ =	shalt  }
0x64: {  	_ =	shalt  }
0x65: {  	_ =	shalt  }
0x66: {  	_ =	shalt  }
0x67: {  	_ =	shalt  }
0x68: {  	_ =	shalt  }
0x69: {  	_ =	shalt  }
0x6a: {  	_ =	shalt  }
0x6b: {  	_ =	shalt  }
0x6c: {  	_ =	shalt  }
0x6d: {  	_ =	shalt  }
0x6e: {  	_ =	shalt  }
0x6f: {  	_ =	shalt  }
0x70: {  	_ =	shalt  }
0x71: {  	_ =	shalt  }
0x72: {  	_ =	shalt  }
0x73: {  	_ =	shalt  }
0x74: {  	_ =	shalt  }
0x75: {  	_ =	shalt  }
0x76: {  	_ =	shalt  }
0x77: {  	_ =	shalt  }
0x78: {  	_ =	shalt  }
0x79: {  	_ =	shalt  }
0x7a: {  	_ =	shalt  }
0x7b: {  	_ =	shalt  }
0x7c: {  	_ =	shalt  }
0x7d: {  	_ =	shalt  }
0x7e: {  	_ =	shalt  }
0x7f: {  	_ =	shalt  }
0x80: {  	_ =	shalt  }
0x81: {  	_ =	shalt  }
0x82: {  	_ =	shalt  }
0x83: {  	_ =	shalt  }
0x84: {  	_ =	shalt  }
0x85: {  	_ =	shalt  }
0x86: {  	_ =	shalt  }
0x87: {  	_ =	shalt  }
.Lfunc_end0:
.L_simem_size_0:
called_computation_lowered:
.L_overlay_start_0:
0x88: {  	s2 =	sld [smem:$0x3FD9]  }
0x89: {  	s3 =	sld [smem:$0x3FFE];
	_ =	sdelay $0x1  }
0x8a: {  	s1 =	srdreg.scid  }
0x8b: {  	s0 =	sand.u32 $0x1, s1  }
0x8c: {  	s14 =	sshll.u32 s0, $0xA;
	s2 =	sadd.s32 s3, s2  }
0x8d: {  	s2 =	sadd.s32 s2, s14  }
0x8e: {  	[smem:$0x3FC0] =	sst s2  }
0x8f: {  	_ = 	snop  }
0x90: {  	s2 =	sld [smem:$0x3FD0];
	_ =	sdelay $0x2  }
0x91: {  	s15 =	simm.s32 $0xA;
	s4 =	simm.s32 $0x10  }
0x92: {  	[smem:s4], [sflag:s15] =	dma.local [hbm:s2], $0x1  }
0x93: {  	_ =	swait.eq [sflag:s15], $0x1  }
0x94: {  	[sflag:s15] =	ssyncset.done $0x0  }
0x95: {  	[sflag:s15] =	ssyncadd.s32 $0xFFFFFFFF  }
0x96: {  	s16 =	sld [smem:$0x10];
	(tm) =	ssettm $0x1  }
0x97: {  	s17 =	sld [smem:$0x3FFB];
	_ =	sdelay $0x3  }
0x98: {  	_ =	strace s17  }
0x99: {  	s3 =	sld [smem:$0x3FFC];
	_ =	sdelay $0x3  }
0x9a: {  	_ =	strace s3  }
0x9b: {  	s3 =	sld [smem:$0x3FFD];
	_ =	sdelay $0x3  }
0x9c: {  	_ =	strace s3  }
0x9d: {  	_ =	strace $0x8FFFFFFF  }
0x9e: {  	s18 =	sld [smem:$0x3FDB];
	_ =	sdelay $0x1  }
0x9f: {  	s19 =	simm.s32 $_scs_section_size  }
0xa0: {  	s5 =	simm.s32 $_size__tile_overlayer_lowered;
	s6 =	simm.s32 $_tile_overlayer_lowered  }
0xa1: {  	s22 =	simm.s32 $0x1BFF;
	s21 =	sshll.u32 s6, $0x1;
	s3 =	sadd.s32 s19, s18  }
0xa2: {  	s7 =	simm.s32 $0x0;
	s20 =	sshll.u32 s5, $0x1;
	s5 =	sadd.s32 s21, s3  }
0xa3: {  	[timem:s7], [sflag:s22] =	dma.local [hbm:s5], s20  }
0xa4: {  	_ =	swait.ge [sflag:s22], s20  }
0xa5: {  	s4 =	ssub.s32 $0x0, s20;
	[sflag:s22] =	ssyncset.done $0x0  }
0xa6: {  	[sflag:s22] =	ssyncadd.s32 s4;
	_ =	sdelay $0x1  }
0xa7: {  	s23 =	simm.s32 $0x1B8B  }
0xa8: {  	_ =	swait.ge [sflag:s23], $0x1  }
0xa9: {  	[sflag:s23] =	ssyncset.done $0x0  }
0xaa: {  	s25 =	simm.s32 $0x1B8E;
	s24 =	sld [smem:$0x3FFE];
	[sflag:s23] =	ssyncadd.s32 $0xFFFFFFFF  }
0xab: {  	s26 =	simm.s32 $execute0_lowered;
	[smem:$0x3FD2] =	sst s25  }
0xac: {  	s5 =	sshll.u32 s26, $0x1;
	_ =	strace $0x80000046;
	[dreg:$0x1] =	wrdreg $0xFFFFFFFF  }
0xad: {  	s28 =	simm.s32 $_size_execute0_lowered;
	s3 =	sadd.s32 s3, s5;
	[dreg:$0x0] =	wrdreg $0x0  }
0xae: {  	s5 =	sshll.u32 s28, $0x1;
	[dreg:$0x2] =	wrdreg s3  }
0xaf: {  	[dreg:$0x3] =	wrdreg s5  }
0xb0: {  	[dreg:$0x4] =	wrdreg $0xC0  }
0xb1: {  	_ =	task [dreg:s7], $0x5FFFF  }
0xb2: {  	[dreg:$0x1] =	wrdreg $0xFFFFFFFF  }
0xb3: {  	[dreg:$0x0] =	wrdreg $0x60  }
0xb4: {  	[dreg:$0x2] =	wrdreg s24  }
0xb5: {  	[dreg:$0x3] =	wrdreg s16  }
0xb6: {  	[dreg:$0x4] =	wrdreg $0xB1000  }
0xb7: {  	[dreg:$0x5] =	wrdreg $0x9  }
0xb8: {  	_ =	task.clear_ibuf [dreg:s7], $0x6FFFF;
	_ =	strace $0x90000046  }
0xb9: {  	s29 =	simm.s32 $0x9;
	_ =	strace $0x80000048  }
0xba: {  	_ =	swait.ge [sflag:s29], $0x1  }
0xbb: {  	[sflag:s29] =	ssyncadd.s32 $0xFFFFFFFF  }
0xbc: {  	_ =	strace $0x90000048  }
0xbd: {  	_ =	sfence  }
0xbe: {  	s30 =	sld [smem:$0x0];
	_ =	sdelay $0x2  }
0xbf: {  	s31 =	sshll.u32 s1, $0xD;
	s1 =	sshrl.u32 s1, $0x2  }
0xc0: {  	s3 =	sand.u32 $0x4000, s31;
	s1 =	sadd.s32 s1, s30  }
0xc1: {  	s0 =	sor.u32 s3, s0;
	s1 =	sshll.u32 s1, $0x11  }
0xc2: {  	s0 =	sor.u32 s1, s0  }
0xc3: {  	s0 =	sadd.s32 $0x8F2B, s0  }
0xc4: {  	[sflag:s0] =	ssyncadd.remote.s32 $0x1  }
0xc5: {  	_ =	sfence.sel $0xFFFF  }
0xc6: {  	[dreg:$0x0] =	wrdreg $0xFFFFFFFF;
	(pc) =	sbr.abs _section_cstart, $3  }
0xc7: {  	[dreg:$0x1] =	wrdreg $0xFFFFFFFF  }
0xc8: {  	_ =	task.clear_ibuf [dreg:s7], $0x2FFFF;
	_ =	strace $0x9FFFFFFF  }
0xc9: {  	(tm) =	ssettm $0x7FFFFFFF  }
tec
execute0_lowered:
.L_overlay_start_1:
0x0: {  	(tag) =	ssettag $0x1  }
0x1: {  	s0 =	rddreg [dreg:$0x0]  }
0x2: {  	s1 =	rddreg [dreg:$0x1]  }
0x3: {  	s2 =	rddreg [dreg:$0x2]  }
0x4: {  	s3 =	simm.s32 $0x0;
	s4 =	srdreg.scid;
	s13 =	stileid.u32  }
0x5: {  	[smem:$0x7FF] =	sst s3;
	s5 =	sand.u32 $0x1, s4;
	s10 =	smul.u32 $0x4E000, s13  }
0x6: {  	s4 =	sadd.s32 $0xC000, s0;
	s6 =	sadd.s32 $0x2200, s0;
	s9 =	smul.u32 $0x27100, s5  }
0x7: {  	s7 =	sadd.s32 $0x4F7E00, s0;
	s8 =	sadd.s32 $0x51F000, s0;
	s10 =	sshrl.u32 s10, $0x2  }
0x8: {  	s12 =	sshll.u32 s13, $0x1;
	s0 =	sadd.s32 s9, s0;
	s9 =	sadd.s32 s10, s2  }
0x9: {  	_ =	strace $0x80000047;
	s31 =	ssub.s32 $0x2, s5;
	s10 =	sadd.s32 $0x1400, s9  }
0xa: {  	s5 =	sor.u32 s5, s12;
	s12 =	sadd.s32 $0x2800, s9;
	[dreg:$0x4] =	wrdreg s10  }
0xb: {  	s14 =	sadd.s32 $0x3C00, s9;
	[dreg:$0x5] =	wrdreg s12  }
0xc: {  	s15 =	sadd.s32 $0x5000, s9;
	[dreg:$0x6] =	wrdreg s14  }
0xd: {  	s16 =	sadd.s32 $0x6400, s9;
	[dreg:$0x7] =	wrdreg s15  }
0xe: {  	s17 =	sadd.s32 $0x7800, s9;
	[dreg:$0x8] =	wrdreg s16  }
0xf: {  	s18 =	sadd.s32 $0x8C00, s9;
	[dreg:$0x9] =	wrdreg s17  }
0x10: {  	s11 =	sshrl.u32 s31, $0x1;
	s19 =	sadd.s32 $0xA000, s9;
	[dreg:$0xa] =	wrdreg s18  }
0x11: {  	s11 =	ssub.s32 s31, s11;
	s20 =	sadd.s32 $0xB400, s9;
	[dreg:$0xb] =	wrdreg s19  }
0x12: {  	s24 =	smax.u32 s11, $0x1;
	[dreg:$0xc] =	wrdreg s20  }
0x13: {  	s0 =	sadd.s32 $0x15E00, s0;
	[dreg:$0x11] =	wrdreg s24  }
0x14: {  	s25 =	sadd.s32 $0xC800, s9;
	[dreg:$0x10] =	wrdreg s0  }
0x15: {  	s26 =	sadd.s32 $0xDC00, s9;
	[dreg:$0x13] =	wrdreg s25  }
0x16: {  	s23 =	smul.u32 $0x2700, s13;
	s28 =	sadd.s32 $0xF000, s9;
	[dreg:$0x14] =	wrdreg s26  }
0x17: {  	p0 =	sne.s32 s13, $0x0;
	s29 =	sadd.s32 $0x10400, s9;
	[dreg:$0x15] =	wrdreg s28  }
0x18: {  	s30 =	sadd.s32 $0x11800, s9;
	s31 =	sadd.s32 $0x12C00, s9;
	[dreg:$0x16] =	wrdreg s29  }
0x19: {  	s11 =	simm.s32 $0x5;
	s15 =	smul.u32 $0x2710, s5;
	[dreg:$0x17] =	wrdreg s30  }
0x1a: {  	s5 =	smul.u32 $0x27100, s5;
	s0 =	sadd.s32 s23, s0;
	[dreg:$0x18] =	wrdreg s31  }
0x1b: {  	s14 =	simm.s32 $0x28;
	s16 =	simm.s32 $0x1;
	s17 =	simm.s32 $0x2500  }
0x1c: {  	s18 =	simm.s32 $0x4D00;
	s19 =	simm.s32 $0x7500;
	s20 =	simm.s32 $0x2  }
0x1d: {  	s24 =	simm.s32 $0x3;
	s12 =	simm.s32 $0x4;
	s25 =	simm.s32 $0x0  }
0x1e: {  	[dreg:$0x12] =	wrdreg s0;
	s21 =	sshrl.u32 s15, $0x3;
	s5 =	sadd.s32 s8, s5  }
0x1f: {  	s22 =	sadd.s32 s4, s21;
	s10 =	sadd.s32 s6, s21;
	[dreg:$0xf] =	wrdreg s5  }
0x20: {  	s5 =	sadd.s32 $0x138000, s2;
	s21 =	simm.s32 $0x80;
	[dreg:$0xd] =	wrdreg s22  }
0x21: {  	v0 =	vimm.f32 $0.0e+00;
	[dreg:$0xe] =	wrdreg s10;
	s10 =	simm.s32 $0x8900;
	s22 =	simm.s32 $0x9D00  }
.LBB2_1:
0x22: {  	s0 =	simm.s32 $0x0;
	s13 =	simm.s32 $0x200  }
.LBB2_2:
0x23: {  	p1 =	sne.s32 s13, $0x4E00;
	[tilespmem:s0+$0x8970] =	vst v0  }
0x24: {  	[tilespmem:s0+$0x8900] =	vst v0  }
0x25: {  	[tilespmem:s0+$0x8910] =	vst v0  }
.Ltmp0:
0x26: {  	[tilespmem:s0+$0x8920] =	vst v0;
	(pc) =	sbr.rel @p1 .LBB2_2-.Ltmp0, $4  }
0x27: {  	[tilespmem:s0+$0x8930] =	vst v0  }
0x28: {  	[tilespmem:s0+$0x8940] =	vst v0  }
0x29: {  	[tilespmem:s0+$0x8950] =	vst v0  }
0x2a: {  	[tilespmem:s0+$0x8960] =	vst v0;
	s0 =	sshra.s32 s13, $0x2;
	s13 =	sadd.s32 $0x200, s13  }
0x2b: {  	[tilespmem:s0+$0x8970] =	vst v0  }
0x2c: {  	[tilespmem:s0+$0x8900] =	vst v0  }
0x2d: {  	[tilespmem:s0+$0x8910] =	vst v0  }
0x2e: {  	[tilespmem:s0+$0x8920] =	vst v0  }
0x2f: {  	[tilespmem:s0+$0x8930] =	vst v0  }
0x30: {  	[tilespmem:s0+$0x8940] =	vst v0  }
0x31: {  	[tilespmem:s0+$0x8950] =	vst v0  }
0x32: {  	[tilespmem:s0+$0x8960] =	vst v0  }
0x33: {  	[spmem:s9] =	stream.linear.scatter [tilespmem:s10], [sflag:$0x5], $0x1400, $0x38;
	[tilespmem:$0x1E980] =	vst v63  }
0x34: {  	_ =	swait.ge [sflag:s11], $0x1400  }
0x35: {  	[sflag:s11] =	ssyncset.done $0x0  }
0x36: {  	s29 =	rddreg [dreg:$0x4];
	[sflag:s11] =	ssyncadd.s32 $0xFFFFEC00  }
0x37: {  	[spmem:s29] =	stream.linear.scatter [tilespmem:s10], [sflag:$0x5], $0x1400, $0x38;
	[tilespmem:$0x1E980] =	vst v63  }
0x38: {  	_ =	swait.ge [sflag:s11], $0x1400  }
0x39: {  	[sflag:s11] =	ssyncset.done $0x0  }
0x3a: {  	s30 =	rddreg [dreg:$0x5];
	[sflag:s11] =	ssyncadd.s32 $0xFFFFEC00  }
0x3b: {  	[spmem:s30] =	stream.linear.scatter [tilespmem:s10], [sflag:$0x5], $0x1400, $0x38;
	[tilespmem:$0x1E980] =	vst v63  }
0x3c: {  	_ =	swait.ge [sflag:s11], $0x1400  }
0x3d: {  	[sflag:s11] =	ssyncset.done $0x0  }
0x3e: {  	s31 =	rddreg [dreg:$0x6];
	[sflag:s11] =	ssyncadd.s32 $0xFFFFEC00  }
0x3f: {  	[spmem:s31] =	stream.linear.scatter [tilespmem:s10], [sflag:$0x5], $0x1400, $0x38;
	[tilespmem:$0x1E980] =	vst v63  }
0x40: {  	_ =	swait.ge [sflag:s11], $0x1400  }
0x41: {  	[sflag:s11] =	ssyncset.done $0x0  }
0x42: {  	s13 =	rddreg [dreg:$0x7];
	[sflag:s11] =	ssyncadd.s32 $0xFFFFEC00  }
0x43: {  	[spmem:s13] =	stream.linear.scatter [tilespmem:s10], [sflag:$0x5], $0x1400, $0x38;
	[tilespmem:$0x1E980] =	vst v63  }
0x44: {  	_ =	swait.ge [sflag:s11], $0x1400  }
0x45: {  	[sflag:s11] =	ssyncset.done $0x0  }
0x46: {  	s23 =	rddreg [dreg:$0x8];
	[sflag:s11] =	ssyncadd.s32 $0xFFFFEC00  }
0x47: {  	[spmem:s23] =	stream.linear.scatter [tilespmem:s10], [sflag:$0x5], $0x1400, $0x38;
	[tilespmem:$0x1E980] =	vst v63  }
0x48: {  	_ =	swait.ge [sflag:s11], $0x1400  }
0x49: {  	[sflag:s11] =	ssyncset.done $0x0  }
0x4a: {  	s26 =	rddreg [dreg:$0x9];
	[sflag:s11] =	ssyncadd.s32 $0xFFFFEC00  }
0x4b: {  	[spmem:s26] =	stream.linear.scatter [tilespmem:s10], [sflag:$0x5], $0x1400, $0x38;
	[tilespmem:$0x1E980] =	vst v63  }
0x4c: {  	_ =	swait.ge [sflag:s11], $0x1400  }
0x4d: {  	[sflag:s11] =	ssyncset.done $0x0  }
0x4e: {  	s28 =	rddreg [dreg:$0xa];
	[sflag:s11] =	ssyncadd.s32 $0xFFFFEC00  }
0x4f: {  	[spmem:s28] =	stream.linear.scatter [tilespmem:s10], [sflag:$0x5], $0x1400, $0x38;
	[tilespmem:$0x1E980] =	vst v63  }
0x50: {  	_ =	swait.ge [sflag:s11], $0x1400  }
0x51: {  	[sflag:s11] =	ssyncset.done $0x0  }
0x52: {  	s29 =	rddreg [dreg:$0xb];
	[sflag:s11] =	ssyncadd.s32 $0xFFFFEC00  }
0x53: {  	[spmem:s29] =	stream.linear.scatter [tilespmem:s10], [sflag:$0x5], $0x1400, $0x38;
	[tilespmem:$0x1E980] =	vst v63  }
0x54: {  	_ =	swait.ge [sflag:s11], $0x1400  }
0x55: {  	[sflag:s11] =	ssyncset.done $0x0  }
0x56: {  	s30 =	rddreg [dreg:$0xc];
	[sflag:s11] =	ssyncadd.s32 $0xFFFFEC00  }
0x57: {  	[spmem:s30] =	stream.linear.scatter [tilespmem:s10], [sflag:$0x5], $0x1400, $0x38;
	[tilespmem:$0x1E980] =	vst v63  }
0x58: {  	_ =	swait.ge [sflag:s11], $0x1400  }
0x59: {  	[sflag:s11] =	ssyncset.done $0x0  }
0x5a: {  	s31 =	rddreg [dreg:$0x13];
	[sflag:s11] =	ssyncadd.s32 $0xFFFFEC00  }
0x5b: {  	[spmem:s31] =	stream.linear.scatter [tilespmem:s10], [sflag:$0x5], $0x1400, $0x38;
	[tilespmem:$0x1E980] =	vst v63  }
0x5c: {  	_ =	swait.ge [sflag:s11], $0x1400  }
0x5d: {  	[sflag:s11] =	ssyncset.done $0x0  }
0x5e: {  	s13 =	rddreg [dreg:$0x14];
	[sflag:s11] =	ssyncadd.s32 $0xFFFFEC00  }
0x5f: {  	[spmem:s13] =	stream.linear.scatter [tilespmem:s10], [sflag:$0x5], $0x1400, $0x38;
	[tilespmem:$0x1E980] =	vst v63  }
0x60: {  	_ =	swait.ge [sflag:s11], $0x1400  }
0x61: {  	[sflag:s11] =	ssyncset.done $0x0  }
0x62: {  	s23 =	rddreg [dreg:$0x15];
	[sflag:s11] =	ssyncadd.s32 $0xFFFFEC00  }
0x63: {  	[spmem:s23] =	stream.linear.scatter [tilespmem:s10], [sflag:$0x5], $0x1400, $0x38;
	[tilespmem:$0x1E980] =	vst v63  }
0x64: {  	_ =	swait.ge [sflag:s11], $0x1400  }
0x65: {  	[sflag:s11] =	ssyncset.done $0x0  }
0x66: {  	s26 =	rddreg [dreg:$0x16];
	[sflag:s11] =	ssyncadd.s32 $0xFFFFEC00  }
0x67: {  	[spmem:s26] =	stream.linear.scatter [tilespmem:s10], [sflag:$0x5], $0x1400, $0x38;
	[tilespmem:$0x1E980] =	vst v63  }
0x68: {  	_ =	swait.ge [sflag:s11], $0x1400  }
0x69: {  	[sflag:s11] =	ssyncset.done $0x0  }
0x6a: {  	s28 =	rddreg [dreg:$0x17];
	[sflag:s11] =	ssyncadd.s32 $0xFFFFEC00  }
0x6b: {  	[spmem:s28] =	stream.linear.scatter [tilespmem:s10], [sflag:$0x5], $0x1400, $0x38;
	[tilespmem:$0x1E980] =	vst v63  }
0x6c: {  	_ =	swait.ge [sflag:s11], $0x1400  }
0x6d: {  	[sflag:s11] =	ssyncset.done $0x0  }
0x6e: {  	s29 =	rddreg [dreg:$0x18];
	[sflag:s11] =	ssyncadd.s32 $0xFFFFEC00  }
0x6f: {  	[spmem:s29] =	stream.linear.scatter [tilespmem:s10], [sflag:$0x5], $0xC00, $0x38;
	[tilespmem:$0x1E980] =	vst v63  }
0x70: {  	_ =	swait.ge [sflag:s11], $0xC00  }
0x71: {  	[sflag:s11] =	ssyncset.done $0x0  }
0x72: {  	s0 =	simm.s32 @!p0 $0x8900;
	[sflag:s11] =	ssyncadd.s32 $0xFFFFF400  }
0x73: {  	[spmem:s5] =	stream.linear.scatter @!p0 [tilespmem:s0], [sflag:$0x5], $0x800, $0x38;
	[tilespmem:$0x1E980] =	vst v63  }
0x74: {  	s0 =	simm.s32 @!p0 $0x5  }
0x75: {  	_ =	swait.ge @!p0 [sflag:s0], $0x800  }
0x76: {  	[sflag:s0] =	ssyncset.done @!p0 $0x0  }
0x77: {  	[sflag:s0] =	ssyncadd.s32 @!p0 $0xFFFFF800  }
0x78: {  	[bflag:$0x0] =	sbarrier.arrive $0xFFFF  }
0x79: {  	s13 =	simm.s32 $0x0;
	s23 =	simm.s32 $0x100;
	s30 =	rddreg [dreg:$0xd]  }
0x7a: {  	[tilespmem:s23], [sflag:$0x5] =	stream.linear.gather [hbm4b:s30+s13], $0x7D0, $0x38;
	[tilespmem:$0x1E980] =	vst v63  }
0x7b: {  	_ =	swait.ge [sflag:s11], $0x7D0  }
0x7c: {  	[sflag:s11] =	ssyncset.done $0x0  }
0x7d: {  	s26 =	simm.s32 $0x900;
	s31 =	rddreg [dreg:$0xe];
	[sflag:s11] =	ssyncadd.s32 $0xFFFFF830  }
0x7e: {  	[tilespmem:s26], [sflag:$0x5] =	stream.linear.gather [hbm4b:s31+s13], $0x7D0, $0x38;
	[tilespmem:$0x1E980] =	vst v63  }
0x7f: {  	_ =	swait.ge [sflag:s11], $0x7D0  }
0x80: {  	[sflag:s11] =	ssyncset.done $0x0  }
0x81: {  	s28 =	simm.s32 $0x1100;
	[sflag:s11] =	ssyncadd.s32 $0xFFFFF830  }
0x82: {  	[tilespmem:s28], [sflag:$0x1] =	stream.indirect.gather [hbm4b:s1+s14], $0x80, s26, s14, $0xb8;
	[tilespmem:$0x1E980] =	vst v63  }
0x83: {  	s29 =	simm.s32 $0x3900  }
0x84: {  	[tilespmem:s29], [sflag:$0x1] =	stream.indirect.gather [hbm4b:s7+s14], $0x80, s23, s14, $0xb8;
	[tilespmem:$0x1E980] =	vst v63  }
0x85: {  	s31 =	simm.s32 $0x6100;
	s30 =	rddreg [dreg:$0xf];
	s26 =	simm.s32 $0x0  }
0x86: {  	[tilespmem:s31], [sflag:$0x1] =	stream.linear.gather [hbm4b:s30+s13], $0x1400, $0x38;
	[tilespmem:$0x1E980] =	vst v63  }
.LBB2_4:
0x87: {  	s28 =	sshll.u32 s26, $0x1;
	_ =	swait.ge [sflag:s16], $0x1400  }
0x88: {  	[sflag:s16] =	ssyncset.done $0x0;
	s0 =	smul.u32 $0x29, s28  }
0x89: {  	[sflag:s16] =	ssyncadd.s32 $0xFFFFEC00  }
0x8a: {  	_ =	swait.ge [sflag:s16], $0x1400;
	s0 =	sshrl.u32 s0, $0xB  }
0x8b: {  	[sflag:s16] =	ssyncset.done $0x0;
	s0 =	sand.u32 $0x1F, s0  }
0x8c: {  	[sflag:s16] =	ssyncadd.s32 $0xFFFFEC00;
	s0 =	smul.u32 $0x32, s0  }
0x8d: {  	_ =	swait.ge [sflag:s16], $0x1400  }
0x8e: {  	p1 =	seq.s32 s26, $0x0;
	[sflag:s16] =	ssyncset.done $0x0;
	s0 =	ssub.s32 s28, s0  }
0x8f: {  	s29 =	simm.s32 @!p1 $0x3;
	[sflag:s16] =	ssyncadd.s32 $0xFFFFEC00;
	s0 =	sand.u32 $0xFF, s0  }
0x90: {  	_ =	swait.ge @!p1 [sflag:s29], $0x1400;
	s0 =	smul.u32 $0xA0, s0  }
0x91: {  	[sflag:s29] =	ssyncset.done @!p1 $0x0  }
0x92: {  	[sflag:s29] =	ssyncadd.s32 @!p1 $0xFFFFEC00;
	s0 =	sshrl.u32 s0, $0x2  }
0x93: {  	v1 =	vld [tilespmem:s0+$0x100];
	_ =	sdelay $0x4  }
0x94: {  	[tilespmem:$0x0] =	vst v1  }
0x95: {  	s30 =	sor.u32 $0x1, s28;
	v1 =	vld [tilespmem:s0+$0x110]  }
0x96: {  	s29 =	smul.u32 $0x29, s30;
	_ =	sdelay $0x1  }
0x97: {  	s29 =	sshrl.u32 s29, $0xB  }
0x98: {  	s29 =	sand.u32 $0x1F, s29  }
0x99: {  	s29 =	smul.u32 $0x32, s29;
	[tilespmem:$0x10] =	vst v1  }
0x9a: {  	v1 =	vld [tilespmem:s0+$0x118]  }
0x9b: {  	s23 =	ssub.s32 s30, s29  }
0x9c: {  	s0 =	sand.u32 $0xFF, s23  }
0x9d: {  	s29 =	smul.u32 $0x28, s0;
	_ =	sdelay $0x1  }
0x9e: {  	s0 =	sadd.s32 $0x900, s29;
	[tilespmem:$0x18] =	vst v1  }
0x9f: {  	[tilespmem:s17], [sflag:$0x2] =	stream.indirect.gather [hbm4b:s1+s14], $0x80, s0, s14, $0xb8;
	[tilespmem:$0x1E980] =	vst v63  }
0xa0: {  	s30 =	smul.u32 $0x28, s30;
	s23 =	sadd.s32 $0x100, s29  }
0xa1: {  	[tilespmem:s18], [sflag:$0x2] =	stream.indirect.gather [hbm4b:s7+s14], $0x80, s23, s14, $0xb8;
	[tilespmem:$0x1E980] =	vst v63  }
0xa2: {  	s23 =	sadd.s32 s15, s30  }
0xa3: {  	s0 =	sshll.u32 s23, $0x4  }
0xa4: {  	s30 =	simm.s32 $0x0;
	s0 =	sadd.s32 s8, s0  }
0xa5: {  	[tilespmem:s19], [sflag:$0x2] =	stream.linear.gather [hbm4b:s0+s13], $0x1400, $0x38;
	[tilespmem:$0x1E980] =	vst v63  }
0xa6: {  	v1 =	vld [tilespmem:s30+$0x1170]  }
0xa7: {  	v2 =	vld [tilespmem:s30+$0x3970]  }
0xa8: {  	v3 =	vld [tilespmem:s30+$0x1100]  }
0xa9: {  	v4 =	vld [tilespmem:s30+$0x6170]  }
0xaa: {  	v5 =	vld [tilespmem:s30+$0x3900]  }
0xab: {  	v6 =	vld [tilespmem:s30+$0x1110]  }
0xac: {  	v7 =	vld [tilespmem:s30+$0x3910]  }
0xad: {  	v8 =	vld [tilespmem:s30+$0x3920]  }
0xae: {  	v10 =	vld [tilespmem:s30+$0x3930]  }
0xaf: {  	v11 =	vld [tilespmem:s30+$0x1140]  }
0xb0: {  	v12 =	vld [tilespmem:s30+$0x1150]  }
0xb1: {  	v13 =	vld [tilespmem:s30+$0x3950]  }
0xb2: {  	v14 =	vld [tilespmem:s30+$0x1160];
	v1 =	vadd.f32 v2, v1  }
0xb3: {  	v15 =	vld [tilespmem:s30+$0x3960]  }
0xb4: {  	v16 =	vld [tilespmem:s30+$0x6100];
	v1 =	vadd.f32 v4, v1  }
0xb5: {  	v2 =	vld [tilespmem:s30+$0x1120]  }
0xb6: {  	v4 =	vld [tilespmem:s30+$0x1130];
	v1 =	vmax.f32 v1, $0.0e+00  }
0xb7: {  	[tilespmem:s30+$0x8970] =	vst v1;
	v1 =	vld [tilespmem:s30+$0x3940]  }
0xb8: {  	v17 =	vld [tilespmem:s30+$0x6110]  }
0xb9: {  	v18 =	vld [tilespmem:s30+$0x6120]  }
0xba: {  	v9 =	vld [tilespmem:s30+$0x6130];
	v3 =	vadd.f32 v5, v3;
	v19 =	vadd.f32 v7, v6  }
0xbb: {  	v20 =	vadd.f32 v8, v2;
	v8 =	vld [tilespmem:s30+$0x6140];
	v5 =	vadd.f32 v10, v4  }
0xbc: {  	v7 =	vld [tilespmem:s30+$0x6150];
	v4 =	vadd.f32 v1, v11;
	v11 =	vadd.f32 v16, v3  }
0xbd: {  	s31 =	simm.s32 $0x80;
	v6 =	vld [tilespmem:s30+$0x6160];
	v10 =	vadd.f32 v17, v19;
	v3 =	vadd.f32 v13, v12  }
0xbe: {  	s0 =	simm.s32 $0x400;
	v2 =	vld [tilespmem:s31+$0x1170];
	v1 =	vadd.f32 v15, v14;
	v12 =	vmax.f32 v11, $0.0e+00;
	v11 =	vadd.f32 v18, v20  }
.LBB2_5:
0xbf: {  	p2 =	sne.s32 s0, $0x4E00;
	v13 =	vld [tilespmem:s31+$0x3970];
	[tilespmem:s30+$0x8900] =	vst v12;
	v10 =	vmax.f32 v10, $0.0e+00;
	v5 =	vadd.f32 v9, v5  }
0xc0: {  	v9 =	vld [tilespmem:s31+$0x1100];
	[tilespmem:s30+$0x8910] =	vst v10;
	v10 =	vmax.f32 v11, $0.0e+00;
	v4 =	vadd.f32 v8, v4  }
0xc1: {  	v8 =	vld [tilespmem:s31+$0x6170];
	[tilespmem:s30+$0x8920] =	vst v10;
	v5 =	vmax.f32 v5, $0.0e+00;
	v3 =	vadd.f32 v7, v3  }
0xc2: {  	v7 =	vld [tilespmem:s31+$0x3900];
	[tilespmem:s30+$0x8930] =	vst v5;
	v4 =	vmax.f32 v4, $0.0e+00;
	v1 =	vadd.f32 v6, v1  }
0xc3: {  	v5 =	vld [tilespmem:s31+$0x1110];
	[tilespmem:s30+$0x8940] =	vst v4;
	v3 =	vmax.f32 v3, $0.0e+00  }
0xc4: {  	v4 =	vld [tilespmem:s31+$0x3910];
	v2 =	vadd.f32 v13, v2;
	[tilespmem:s30+$0x8950] =	vst v3;
	v1 =	vmax.f32 v1, $0.0e+00  }
0xc5: {  	v3 =	vld [tilespmem:s31+$0x1120];
	[tilespmem:s30+$0x8960] =	vst v1;
	s30 =	smov.u32 s31  }
0xc6: {  	v1 =	vld [tilespmem:s30+$0x3920];
	v2 =	vadd.f32 v8, v2  }
0xc7: {  	v6 =	vadd.f32 v7, v9;
	v7 =	vld [tilespmem:s30+$0x1130]  }
0xc8: {  	v8 =	vld [tilespmem:s30+$0x3930];
	v2 =	vmax.f32 v2, $0.0e+00  }
0xc9: {  	v10 =	vadd.f32 v4, v5;
	v4 =	vld [tilespmem:s30+$0x1140];
	[tilespmem:s30+$0x8970] =	vst v2  }
0xca: {  	v2 =	vld [tilespmem:s30+$0x3940]  }
0xcb: {  	v11 =	vadd.f32 v1, v3;
	v1 =	vld [tilespmem:s30+$0x1150]  }
0xcc: {  	v3 =	vld [tilespmem:s30+$0x3950]  }
0xcd: {  	v5 =	vadd.f32 v8, v7;
	v7 =	vld [tilespmem:s30+$0x1160]  }
0xce: {  	v12 =	vld [tilespmem:s30+$0x3960]  }
0xcf: {  	v13 =	vld [tilespmem:s30+$0x6100];
	v4 =	vadd.f32 v2, v4  }
0xd0: {  	v2 =	vld [tilespmem:s30+$0x6110]  }
0xd1: {  	v14 =	vld [tilespmem:s30+$0x6120];
	v3 =	vadd.f32 v3, v1  }
.Ltmp1:
0xd2: {  	v9 =	vld [tilespmem:s30+$0x6130];
	(pc) =	sbr.rel @p2 .LBB2_5-.Ltmp1, $4  }
0xd3: {  	v8 =	vld [tilespmem:s30+$0x6140];
	v1 =	vadd.f32 v12, v7  }
0xd4: {  	v12 =	vadd.f32 v13, v6;
	v7 =	vld [tilespmem:s30+$0x6150]  }
0xd5: {  	s31 =	sshra.s32 s0, $0x2;
	v10 =	vadd.f32 v2, v10;
	v6 =	vld [tilespmem:s30+$0x6160]  }
0xd6: {  	s0 =	sadd.s32 $0x200, s0;
	v2 =	vld [tilespmem:s31+$0x1170];
	v12 =	vmax.f32 v12, $0.0e+00;
	v11 =	vadd.f32 v14, v11  }
0xd7: {  	v13 =	vld [tilespmem:s31+$0x3970];
	[tilespmem:s30+$0x8900] =	vst v12;
	v10 =	vmax.f32 v10, $0.0e+00;
	v5 =	vadd.f32 v9, v5  }
0xd8: {  	v12 =	vld [tilespmem:s31+$0x1100];
	[tilespmem:s30+$0x8910] =	vst v10;
	v9 =	vmax.f32 v11, $0.0e+00;
	v4 =	vadd.f32 v8, v4  }
0xd9: {  	v10 =	vld [tilespmem:s31+$0x6170];
	[tilespmem:s30+$0x8920] =	vst v9;
	v5 =	vmax.f32 v5, $0.0e+00;
	v3 =	vadd.f32 v7, v3  }
0xda: {  	v8 =	vld [tilespmem:s31+$0x3900];
	[tilespmem:s30+$0x8930] =	vst v5;
	v4 =	vmax.f32 v4, $0.0e+00;
	v1 =	vadd.f32 v6, v1  }
0xdb: {  	v5 =	vld [tilespmem:s31+$0x1110];
	[tilespmem:s30+$0x8940] =	vst v4;
	v3 =	vmax.f32 v3, $0.0e+00  }
0xdc: {  	v4 =	vld [tilespmem:s31+$0x3910];
	[tilespmem:s30+$0x8950] =	vst v3;
	v1 =	vmax.f32 v1, $0.0e+00  }
0xdd: {  	v3 =	vld [tilespmem:s31+$0x1120];
	[tilespmem:s30+$0x8960] =	vst v1  }
0xde: {  	v1 =	vld [tilespmem:s31+$0x3920]  }
0xdf: {  	v6 =	vld [tilespmem:s31+$0x1130]  }
0xe0: {  	v2 =	vadd.f32 v13, v2;
	v7 =	vld [tilespmem:s31+$0x3930]  }
0xe1: {  	v9 =	vld [tilespmem:s31+$0x1140]  }
0xe2: {  	v2 =	vadd.f32 v10, v2;
	v10 =	vld [tilespmem:s31+$0x1150]  }
0xe3: {  	v11 =	vld [tilespmem:s31+$0x3950]  }
0xe4: {  	v13 =	vld [tilespmem:s31+$0x1160]  }
0xe5: {  	v14 =	vld [tilespmem:s31+$0x3960]  }
0xe6: {  	v15 =	vld [tilespmem:s31+$0x6100]  }
0xe7: {  	v16 =	vld [tilespmem:s31+$0x6110]  }
0xe8: {  	v17 =	vld [tilespmem:s31+$0x6120];
	v2 =	vmax.f32 v2, $0.0e+00  }
0xe9: {  	[tilespmem:s31+$0x8970] =	vst v2;
	v2 =	vld [tilespmem:s31+$0x3940]  }
0xea: {  	v8 =	vadd.f32 v8, v12;
	v12 =	vld [tilespmem:s31+$0x6130]  }
0xeb: {  	v4 =	vadd.f32 v4, v5;
	v5 =	vld [tilespmem:s31+$0x6140]  }
0xec: {  	v1 =	vadd.f32 v1, v3;
	v3 =	vadd.f32 v15, v8;
	v8 =	vld [tilespmem:s31+$0x6150]  }
0xed: {  	v6 =	vadd.f32 v7, v6;
	v4 =	vadd.f32 v16, v4;
	v7 =	vld [tilespmem:s31+$0x6160]  }
0xee: {  	v3 =	vmax.f32 v3, $0.0e+00;
	v1 =	vadd.f32 v17, v1;
	v2 =	vadd.f32 v2, v9  }
0xef: {  	v9 =	vadd.f32 v11, v10;
	[tilespmem:s31+$0x8900] =	vst v3;
	v3 =	vmax.f32 v4, $0.0e+00;
	v4 =	vadd.f32 v12, v6  }
0xf0: {  	v6 =	vadd.f32 v14, v13;
	[tilespmem:s31+$0x8910] =	vst v3;
	v1 =	vmax.f32 v1, $0.0e+00;
	v2 =	vadd.f32 v5, v2  }
0xf1: {  	[tilespmem:s31+$0x8920] =	vst v1;
	v1 =	vmax.f32 v4, $0.0e+00;
	v3 =	vadd.f32 v8, v9  }
0xf2: {  	[tilespmem:s31+$0x8930] =	vst v1;
	v1 =	vmax.f32 v2, $0.0e+00;
	v2 =	vadd.f32 v7, v6  }
0xf3: {  	[tilespmem:s31+$0x8940] =	vst v1;
	v1 =	vmax.f32 v3, $0.0e+00  }
0xf4: {  	[tilespmem:s31+$0x8950] =	vst v1;
	v1 =	vmax.f32 v2, $0.0e+00  }
0xf5: {  	[tilespmem:s31+$0x8960] =	vst v1  }
0xf6: {  	[spmem:s2] =	stream.indirect.scatter.add.f32 [tilespmem:s10], [sflag:$0x3], $0x80, s3, s14, $0xb8;
	[tilespmem:$0x1E980] =	vst v63  }
0xf7: {  	_ =	swait.ge [sflag:s20], $0x1400  }
0xf8: {  	[sflag:s20] =	ssyncset.done $0x0  }
0xf9: {  	[sflag:s20] =	ssyncadd.s32 $0xFFFFEC00  }
0xfa: {  	_ =	swait.ge [sflag:s20], $0x1400  }
0xfb: {  	[sflag:s20] =	ssyncset.done $0x0  }
0xfc: {  	[sflag:s20] =	ssyncadd.s32 $0xFFFFEC00  }
0xfd: {  	_ =	swait.ge [sflag:s20], $0x1400  }
0xfe: {  	[sflag:s20] =	ssyncset.done $0x0  }
0xff: {  	s0 =	simm.s32 @!p1 $0x4;
	[sflag:s20] =	ssyncadd.s32 $0xFFFFEC00  }
0x100: {  	_ =	swait.ge @!p1 [sflag:s0], $0x1400  }
0x101: {  	[sflag:s0] =	ssyncset.done @!p1 $0x0  }
0x102: {  	[sflag:s0] =	ssyncadd.s32 @!p1 $0xFFFFEC00  }
0x103: {  	v1 =	vld [tilespmem:s29+$0x100];
	_ =	sdelay $0x4  }
0x104: {  	[tilespmem:$0x80] =	vst v1  }
0x105: {  	p1 =	seq.s32 s26, $0x7C;
	v1 =	vld [tilespmem:s29+$0x110]  }
0x106: {  	s0 =	sadd.s32 @!p1 $0x2, s28  }
0x107: {  	s28 =	smulhi.u32 @!p1 $0x51EB851F, s0;
	_ =	sdelay $0x1  }
0x108: {  	s28 =	sshrl.u32 @!p1 s28, $0x4  }
0x109: {  	s28 =	smul.u32 @!p1 $0x32, s28;
	[tilespmem:$0x90] =	vst v1  }
0x10a: {  	v1 =	vld [tilespmem:s29+$0x118]  }
0x10b: {  	s28 =	ssub.s32 @!p1 s0, s28;
	s0 =	smul.u32 @!p1 $0x28, s0  }
0x10c: {  	p2 =	sne.s32 @!p1 s28, $0x0  }
0x10d: {  	s0 =	sadd.s32 @!p1 s15, s0;
	p2 =	por p2, p1  }
0x10e: {  	s29 =	sshrl.u32 @!p2 s0, $0x3  }
0x10f: {  	s31 =	simm.s32 @!p2 $0x0;
	s23 =	simm.s32 @!p2 $0x100;
	s30 =	sadd.s32 @!p2 s4, s29;
	[tilespmem:$0x98] =	vst v1  }
0x110: {  	[tilespmem:s23], [sflag:$0x5] =	stream.linear.gather @!p2 [hbm4b:s30+s31], $0x7D0, $0x38;
	[tilespmem:$0x1E980] =	vst v63  }
0x111: {  	s23 =	simm.s32 @!p2 $0x5  }
0x112: {  	_ =	swait.ge @!p2 [sflag:s23], $0x7D0  }
0x113: {  	[sflag:s23] =	ssyncset.done @!p2 $0x0  }
0x114: {  	s29 =	sadd.s32 @!p2 s6, s29;
	s30 =	simm.s32 @!p2 $0x900;
	[sflag:s23] =	ssyncadd.s32 @!p2 $0xFFFFF830  }
0x115: {  	[tilespmem:s30], [sflag:$0x5] =	stream.linear.gather @!p2 [hbm4b:s29+s31], $0x7D0, $0x38;
	[tilespmem:$0x1E980] =	vst v63  }
0x116: {  	s28 =	smul.u32 @!p1 $0x28, s28;
	_ =	swait.ge @!p2 [sflag:s23], $0x7D0  }
0x117: {  	s29 =	simm.s32 @!p1 $0x28;
	[sflag:s23] =	ssyncset.done @!p2 $0x0  }
0x118: {  	s30 =	simm.s32 @!p1 $0x1100;
	[sflag:s23] =	ssyncadd.s32 @!p2 $0xFFFFF830;
	s23 =	sadd.s32 @!p1 $0x900, s28  }
0x119: {  	[tilespmem:s30], [sflag:$0x1] =	stream.indirect.gather @!p1 [hbm4b:s1+s29], $0x80, s23, s29, $0xb8;
	[tilespmem:$0x1E980] =	vst v63  }
0x11a: {  	s0 =	sshll.u32 @!p1 s0, $0x4;
	s23 =	sadd.s32 @!p1 $0x100, s28;
	s28 =	simm.s32 @!p1 $0x3900  }
0x11b: {  	[tilespmem:s28], [sflag:$0x1] =	stream.indirect.gather @!p1 [hbm4b:s7+s29], $0x80, s23, s29, $0xb8;
	[tilespmem:$0x1E980] =	vst v63  }
0x11c: {  	s0 =	sadd.s32 @!p1 s8, s0;
	s23 =	simm.s32 @!p1 $0x0;
	s28 =	simm.s32 @!p1 $0x6100  }
0x11d: {  	[tilespmem:s28], [sflag:$0x1] =	stream.linear.gather @!p1 [hbm4b:s0+s23], $0x1400, $0x38;
	[tilespmem:$0x1E980] =	vst v63  }
0x11e: {  	s28 =	simm.s32 $0x0  }
0x11f: {  	v1 =	vld [tilespmem:s28+$0x2570]  }
0x120: {  	v2 =	vld [tilespmem:s28+$0x4D70]  }
0x121: {  	v3 =	vld [tilespmem:s28+$0x2500]  }
0x122: {  	v4 =	vld [tilespmem:s28+$0x7570]  }
0x123: {  	v5 =	vld [tilespmem:s28+$0x4D00]  }
0x124: {  	v6 =	vld [tilespmem:s28+$0x2510]  }
0x125: {  	v7 =	vld [tilespmem:s28+$0x4D10]  }
0x126: {  	v8 =	vld [tilespmem:s28+$0x4D20]  }
0x127: {  	v10 =	vld [tilespmem:s28+$0x4D30]  }
0x128: {  	v11 =	vld [tilespmem:s28+$0x2540]  }
0x129: {  	v12 =	vld [tilespmem:s28+$0x2550]  }
0x12a: {  	v13 =	vld [tilespmem:s28+$0x4D50]  }
0x12b: {  	v14 =	vld [tilespmem:s28+$0x2560];
	v1 =	vadd.f32 v2, v1  }
0x12c: {  	v15 =	vld [tilespmem:s28+$0x4D60]  }
0x12d: {  	v62 =	vld [tilespmem:s28+$0x7500];
	v1 =	vadd.f32 v4, v1  }
0x12e: {  	v2 =	vld [tilespmem:s28+$0x2520]  }
0x12f: {  	v4 =	vld [tilespmem:s28+$0x2530];
	v1 =	vmax.f32 v1, $0.0e+00  }
0x130: {  	[tilespmem:s28+$0x9D70] =	vst v1;
	v1 =	vld [tilespmem:s28+$0x4D40]  }
0x131: {  	v63 =	vld [tilespmem:s28+$0x7510]  }
0x132: {  	v18 =	vld [tilespmem:s28+$0x7520]  }
0x133: {  	v9 =	vld [tilespmem:s28+$0x7530];
	v3 =	vadd.f32 v5, v3;
	v19 =	vadd.f32 v7, v6  }
0x134: {  	v20 =	vadd.f32 v8, v2;
	v8 =	vld [tilespmem:s28+$0x7540];
	v5 =	vadd.f32 v10, v4  }
0x135: {  	v7 =	vld [tilespmem:s28+$0x7550];
	v4 =	vadd.f32 v1, v11;
	v11 =	vadd.f32 v62, v3  }
0x136: {  	s29 =	simm.s32 $0x80;
	v6 =	vld [tilespmem:s28+$0x7560];
	v10 =	vadd.f32 v63, v19;
	v3 =	vadd.f32 v13, v12  }
0x137: {  	s0 =	simm.s32 $0x400;
	v2 =	vld [tilespmem:s29+$0x2570];
	v1 =	vadd.f32 v15, v14;
	v12 =	vmax.f32 v11, $0.0e+00;
	v11 =	vadd.f32 v18, v20  }
.LBB2_7:
0x138: {  	p1 =	sne.s32 s0, $0x4E00;
	v13 =	vld [tilespmem:s29+$0x4D70];
	[tilespmem:s28+$0x9D00] =	vst v12;
	v10 =	vmax.f32 v10, $0.0e+00;
	v5 =	vadd.f32 v9, v5  }
0x139: {  	v9 =	vld [tilespmem:s29+$0x2500];
	[tilespmem:s28+$0x9D10] =	vst v10;
	v10 =	vmax.f32 v11, $0.0e+00;
	v4 =	vadd.f32 v8, v4  }
0x13a: {  	v8 =	vld [tilespmem:s29+$0x7570];
	[tilespmem:s28+$0x9D20] =	vst v10;
	v5 =	vmax.f32 v5, $0.0e+00;
	v3 =	vadd.f32 v7, v3  }
0x13b: {  	v7 =	vld [tilespmem:s29+$0x4D00];
	[tilespmem:s28+$0x9D30] =	vst v5;
	v4 =	vmax.f32 v4, $0.0e+00;
	v1 =	vadd.f32 v6, v1  }
0x13c: {  	v5 =	vld [tilespmem:s29+$0x2510];
	[tilespmem:s28+$0x9D40] =	vst v4;
	v3 =	vmax.f32 v3, $0.0e+00  }
0x13d: {  	v4 =	vld [tilespmem:s29+$0x4D10];
	v2 =	vadd.f32 v13, v2;
	[tilespmem:s28+$0x9D50] =	vst v3;
	v1 =	vmax.f32 v1, $0.0e+00  }
0x13e: {  	v3 =	vld [tilespmem:s29+$0x2520];
	[tilespmem:s28+$0x9D60] =	vst v1;
	s28 =	smov.u32 s29  }
0x13f: {  	v1 =	vld [tilespmem:s28+$0x4D20];
	v2 =	vadd.f32 v8, v2  }
0x140: {  	v6 =	vadd.f32 v7, v9;
	v7 =	vld [tilespmem:s28+$0x2530]  }
0x141: {  	v8 =	vld [tilespmem:s28+$0x4D30];
	v2 =	vmax.f32 v2, $0.0e+00  }
0x142: {  	v10 =	vadd.f32 v4, v5;
	v4 =	vld [tilespmem:s28+$0x2540];
	[tilespmem:s28+$0x9D70] =	vst v2  }
0x143: {  	v2 =	vld [tilespmem:s28+$0x4D40]  }
0x144: {  	v11 =	vadd.f32 v1, v3;
	v1 =	vld [tilespmem:s28+$0x2550]  }
0x145: {  	v3 =	vld [tilespmem:s28+$0x4D50]  }
0x146: {  	v5 =	vadd.f32 v8, v7;
	v7 =	vld [tilespmem:s28+$0x2560]  }
0x147: {  	v12 =	vld [tilespmem:s28+$0x4D60]  }
0x148: {  	v13 =	vld [tilespmem:s28+$0x7500];
	v4 =	vadd.f32 v2, v4  }
0x149: {  	v2 =	vld [tilespmem:s28+$0x7510]  }
0x14a: {  	v14 =	vld [tilespmem:s28+$0x7520];
	v3 =	vadd.f32 v3, v1  }
.Ltmp2:
0x14b: {  	v9 =	vld [tilespmem:s28+$0x7530];
	(pc) =	sbr.rel @p1 .LBB2_7-.Ltmp2, $4  }
0x14c: {  	v8 =	vld [tilespmem:s28+$0x7540];
	v1 =	vadd.f32 v12, v7  }
0x14d: {  	v12 =	vadd.f32 v13, v6;
	v7 =	vld [tilespmem:s28+$0x7550]  }
0x14e: {  	s29 =	sshra.s32 s0, $0x2;
	v10 =	vadd.f32 v2, v10;
	v6 =	vld [tilespmem:s28+$0x7560]  }
0x14f: {  	s0 =	sadd.s32 $0x200, s0;
	v2 =	vld [tilespmem:s29+$0x2570];
	v12 =	vmax.f32 v12, $0.0e+00;
	v11 =	vadd.f32 v14, v11  }
0x150: {  	v13 =	vld [tilespmem:s29+$0x4D70];
	[tilespmem:s28+$0x9D00] =	vst v12;
	v10 =	vmax.f32 v10, $0.0e+00;
	v5 =	vadd.f32 v9, v5  }
0x151: {  	v12 =	vld [tilespmem:s29+$0x2500];
	[tilespmem:s28+$0x9D10] =	vst v10;
	v50 =	vmax.f32 v11, $0.0e+00;
	v4 =	vadd.f32 v8, v4  }
0x152: {  	v10 =	vld [tilespmem:s29+$0x7570];
	[tilespmem:s28+$0x9D20] =	vst v50;
	v5 =	vmax.f32 v5, $0.0e+00;
	v3 =	vadd.f32 v7, v3  }
0x153: {  	v51 =	vld [tilespmem:s29+$0x4D00];
	[tilespmem:s28+$0x9D30] =	vst v5;
	v4 =	vmax.f32 v4, $0.0e+00;
	v1 =	vadd.f32 v6, v1  }
0x154: {  	v5 =	vld [tilespmem:s29+$0x2510];
	[tilespmem:s28+$0x9D40] =	vst v4;
	v3 =	vmax.f32 v3, $0.0e+00  }
0x155: {  	v4 =	vld [tilespmem:s29+$0x4D10];
	[tilespmem:s28+$0x9D50] =	vst v3;
	v1 =	vmax.f32 v1, $0.0e+00  }
0x156: {  	v3 =	vld [tilespmem:s29+$0x2520];
	[tilespmem:s28+$0x9D60] =	vst v1  }
0x157: {  	v1 =	vld [tilespmem:s29+$0x4D20]  }
0x158: {  	v52 =	vld [tilespmem:s29+$0x2530]  }
0x159: {  	v53 =	vld [tilespmem:s29+$0x4D30]  }
0x15a: {  	v9 =	vld [tilespmem:s29+$0x2540]  }
0x15b: {  	v54 =	vld [tilespmem:s29+$0x2550]  }
0x15c: {  	v55 =	vld [tilespmem:s29+$0x4D50]  }
0x15d: {  	v2 =	vadd.f32 v13, v2;
	v56 =	vld [tilespmem:s29+$0x2560]  }
0x15e: {  	v14 =	vld [tilespmem:s29+$0x4D60]  }
0x15f: {  	v2 =	vadd.f32 v10, v2;
	v15 =	vld [tilespmem:s29+$0x7500]  }
0x160: {  	v16 =	vld [tilespmem:s29+$0x7510]  }
0x161: {  	v17 =	vld [tilespmem:s29+$0x7520];
	v2 =	vmax.f32 v2, $0.0e+00  }
0x162: {  	[tilespmem:s29+$0x9D70] =	vst v2;
	v2 =	vld [tilespmem:s29+$0x4D40]  }
0x163: {  	v57 =	vld [tilespmem:s29+$0x7530];
	v8 =	vadd.f32 v51, v12  }
0x164: {  	v58 =	vld [tilespmem:s29+$0x7540];
	v4 =	vadd.f32 v4, v5  }
0x165: {  	v59 =	vld [tilespmem:s29+$0x7550];
	v1 =	vadd.f32 v1, v3;
	v3 =	vadd.f32 v15, v8  }
0x166: {  	v60 =	vld [tilespmem:s29+$0x7560];
	v6 =	vadd.f32 v53, v52;
	v4 =	vadd.f32 v16, v4  }
0x167: {  	v1 =	vadd.f32 v17, v1;
	v3 =	vmax.f32 v3, $0.0e+00;
	v2 =	vadd.f32 v2, v9  }
0x168: {  	v61 =	vadd.f32 v55, v54;
	v62 =	vadd.f32 v57, v6;
	[tilespmem:s29+$0x9D00] =	vst v3;
	v3 =	vmax.f32 v4, $0.0e+00  }
0x169: {  	s26 =	sadd.s32 $0x1, s26;
	v63 =	vadd.f32 v14, v56;
	[tilespmem:s29+$0x9D10] =	vst v3;
	v1 =	vmax.f32 v1, $0.0e+00;
	v2 =	vadd.f32 v58, v2  }
0x16a: {  	p1 =	sne.s32 s26, $0x7D;
	v3 =	vadd.f32 v59, v61;
	[tilespmem:s29+$0x9D20] =	vst v1;
	v1 =	vmax.f32 v62, $0.0e+00  }
.Ltmp3:
0x16b: {  	[tilespmem:s29+$0x9D30] =	vst v1;
	v1 =	vmax.f32 v2, $0.0e+00;
	v2 =	vadd.f32 v60, v63;
	(pc) =	sbr.rel @p1 .LBB2_4-.Ltmp3, $4  }
0x16c: {  	[tilespmem:s29+$0x9D40] =	vst v1;
	v1 =	vmax.f32 v3, $0.0e+00  }
0x16d: {  	[tilespmem:s29+$0x9D50] =	vst v1;
	v1 =	vmax.f32 v2, $0.0e+00  }
0x16e: {  	[tilespmem:s29+$0x9D60] =	vst v1  }
0x16f: {  	[spmem:s2] =	stream.indirect.scatter.add.f32 [tilespmem:s22], [sflag:$0x4], $0x80, s21, s14, $0xb8;
	[tilespmem:$0x1E980] =	vst v63  }
0x170: {  	_ =	swait.ge [sflag:s24], $0x1400  }
0x171: {  	[sflag:s24] =	ssyncset.done $0x0  }
0x172: {  	[sflag:s24] =	ssyncadd.s32 $0xFFFFEC00  }
0x173: {  	_ =	swait.ge [sflag:s12], $0x1400  }
0x174: {  	[sflag:s12] =	ssyncset.done $0x0  }
0x175: {  	s0 =	stileid.u32;
	[sflag:s12] =	ssyncadd.s32 $0xFFFFEC00  }
0x176: {  	s0 =	sshll.u32 s0, $0x6;
	[bflag:$0x0] =	sbarrier.arrive $0xFFFF  }
0x177: {  	s13 =	sshrl.u32 s9, $0x3;
	s0 =	sor.u32 $0x1C05, s0;
	s23 =	rddreg [dreg:$0x12]  }
0x178: {  	[hbm:s23], [sflag:s0] =	dma.local [spmem:s13], $0x2700  }
0x179: {  	_ =	swait.ge [sflag:s11], $0x2700  }
0x17a: {  	[sflag:s11] =	ssyncset.done $0x0;
	s13 =	rddreg [dreg:$0x10]  }
0x17b: {  	s23 =	sshrl.u32 @!p0 s5, $0x3;
	[sflag:s11] =	ssyncadd.s32 $0xFFFFD900;
	s13 =	sadd.s32 @!p0 $0x27000, s13  }
0x17c: {  	[hbm:s13], [sflag:s0] =	dma.local @!p0 [spmem:s23], $0x100  }
0x17d: {  	s0 =	simm.s32 @!p0 $0x5  }
0x17e: {  	_ =	swait.ge @!p0 [sflag:s0], $0x100  }
0x17f: {  	s25 =	sadd.s32 $0x1, s25;
	s31 =	rddreg [dreg:$0x11]  }
0x180: {  	p1 =	sne.s32 s25, s31  }
.Ltmp4:
0x181: {  	_ = 	snop;
	(pc) =	sbr.rel @p1 .LBB2_1-.Ltmp4, $3  }
0x182: {  	_ =	sdelay $0x1  }
0x183: {  	[sflag:s0] =	ssyncset.done @!p0 $0x0  }
0x184: {  	[sflag:s0] =	ssyncadd.s32 @!p0 $0xFFFFFF00  }
0x185: {  	_ =	sfence.sel $0x180000  }
0x186: {  	[bflag:$0x0] =	sbarrier.arrive $0xFFFF  }
0x187: {  	_ =	strace $0x90000047  }
0x188: {  	[bflag:$0x2] =	sbarrier.arrive $0xFFFF  }
0x189: {  	s0 =	rddreg [dreg:$0x3]  }
0x18a: {  	s0 =	sadd.s32 @!p0 $0x100000, s0  }
0x18b: {  	[sflag:s0] =	ssyncadd.tile.s32 @!p0 $0x1;
	_ =	shalt  }
.Lfunc_end2:
_tile_overlayer_lowered:
.L_overlay_start_2:
0x18c: {  	(tag) =	ssettag $0x2  }
0x18d: {  	s0 =	rddreg [dreg:$0x0];
	s2 =	stileid.u32  }
0x18e: {  	s1 =	rddreg [dreg:$0x1];
	p0 =	sne.s32 s2, $0x0  }
0x18f: {  	s3 =	rddreg [dreg:$0x2];
	[bflag:$0x3] =	sbarrier.arrive $0xFFFF;
	s2 =	simm.s32 @!p0 $0x1C05  }
0x190: {  	[timem:s3], [sflag:s2] =	dma.local @!p0 [hbm:s0], s1  }
0x191: {  	s0 =	simm.s32 @!p0 $0x5  }
0x192: {  	_ =	swait.ge @!p0 [sflag:s0], s1  }
0x193: {  	s1 =	ssub.s32 @!p0 $0x0, s1;
	[sflag:s0] =	ssyncset.done @!p0 $0x0  }
0x194: {  	[sflag:s0] =	ssyncadd.s32 @!p0 s1  }
0x195: {  	[bflag:$0x3] =	sbarrier.arrive $0xFFFF  }
0x196: {  	_ =	shalt  }

</sc_bundles>
